<compile_context>
chip_gen: v7x
topology: tpu7x:2x2x1
jax: 0.10.2.dev20260603
libtpu: 0.0.44.dev20260713+nightly
codegen_flags: <defaults>
</compile_context>

<pallas_src>
import functools

import jax
import jax.numpy as jnp
from jax import lax
from jax.experimental import pallas as pl
from jax.experimental.pallas import tpu as pltpu
from jax.experimental.pallas import tpu_sc as plsc

NUM_CAT = 26
N_FIELDS = 39
N_NUM = N_FIELDS - NUM_CAT
DIM = 128
BATCH = 16384

NC, NS = 2, 16
NW = NC * NS
BT = BATCH * NUM_CAT
STAGE_ROWS = BATCH * N_FIELDS
PW = BT // NW
CH = 104
NCH = PW // CH
NBUF = 8
NITER = NCH // NBUF

_sc_mesh = plsc.VectorSubcoreMesh(core_axis_name="c", subcore_axis_name="s")


@functools.partial(
    pl.kernel,
    out_type=jax.ShapeDtypeStruct((STAGE_ROWS, DIM), jnp.float32),
    mesh=_sc_mesh,
    scratch_types=[
        pltpu.VMEM_SHARED((256, DIM), jnp.float32),
        pltpu.VMEM((NCH, CH), jnp.int32),
    ]
    + [pltpu.VMEM((CH, DIM), jnp.float32) for _ in range(NBUF)]
    + [pltpu.SemaphoreType.DMA for _ in range(2 * NBUF)],
)
def _sc_gather(table_hbm, idx_hbm, out_hbm, tab_sh, idx_v, *bufs_sems):
    rows = bufs_sems[:NBUF]
    gsem = bufs_sems[NBUF : 2 * NBUF]
    wsem = bufs_sems[2 * NBUF :]
    wid = lax.axis_index("s") * NC + lax.axis_index("c")
    base = wid * PW
    pltpu.sync_copy(idx_hbm.at[wid], idx_v)

    @pl.when(lax.axis_index("s") == 0)
    def _():
        pltpu.sync_copy(table_hbm, tab_sh)

    plsc.subcore_barrier()

    def body(i, carry):
        for j in range(NBUF):
            c = i * NBUF + j

            @pl.when(i > 0)
            def _():
                pltpu.make_async_copy(
                    rows[j], out_hbm.at[pl.ds(base + (c - NBUF) * CH, CH)], wsem[j]
                ).wait()

            pltpu.async_copy(tab_sh.at[idx_v.at[c]], rows[j], gsem[j])
        for j in range(NBUF):
            c = i * NBUF + j
            pltpu.make_async_copy(tab_sh.at[idx_v.at[c]], rows[j], gsem[j]).wait()
            pltpu.async_copy(rows[j], out_hbm.at[pl.ds(base + c * CH, CH)], wsem[j])
        return carry

    lax.fori_loop(0, NITER, body, 0)
    for j in range(NBUF):
        c = NCH - NBUF + j
        pltpu.make_async_copy(
            rows[j], out_hbm.at[pl.ds(base + c * CH, CH)], wsem[j]
        ).wait()


def _numfill_body(src_ref, num_ref, w_ref, b_ref, out_ref):
    del src_ref
    i = pl.program_id(0)
    numv = num_ref[i, :]
    w = w_ref[0, :]
    b = b_ref[0, :]
    out_ref[...] = jnp.maximum(numv[:, None] * w[None, :] + b[None, :], 0.0)


def _numfill(stage, numT, w, b):
    return pl.pallas_call(
        _numfill_body,
        grid=(N_NUM,),
        in_specs=[
            pl.BlockSpec(memory_space=pl.ANY),
            pl.BlockSpec((N_NUM, BATCH), lambda i: (0, 0)),
            pl.BlockSpec((1, DIM), lambda i: (0, 0)),
            pl.BlockSpec((1, DIM), lambda i: (0, 0)),
        ],
        out_specs=pl.BlockSpec((BATCH, DIM), lambda i: (i + NUM_CAT, 0)),
        out_shape=jax.ShapeDtypeStruct((STAGE_ROWS, DIM), jnp.float32),
        input_output_aliases={0: 0},
    )(stage, numT, w, b)


def kernel(x, table, W_num, b_num):
    xT = x.T
    idxT = xT[:NUM_CAT].astype(jnp.int32).reshape(NW, NCH, CH)
    numT = xT[NUM_CAT:]
    stage = _sc_gather(table, idxT)
    full = _numfill(stage, numT, W_num.reshape(1, DIM), b_num.reshape(1, DIM))
    out3 = full.reshape(N_FIELDS, BATCH, DIM)
    return jnp.transpose(out3, (1, 0, 2))

# --- scband reference (transcript-rebuilt; emitter-appended) ---
"""Pipeline reference for scband-custom-embedding-88081189306603 (READ-ONLY COPY).

The authoritative reference and input builder live on the scoring server;
editing this copy changes nothing except your own understanding.
"""

import jax, jax.numpy as jnp
import numpy as np

NUM_CATEGORICAL = 26
DIM = 128
BATCH = 16384
N_FIELDS = 39
VOCAB = DIM * 2  # 256, per module: Embedding(dim*2, dim)

def setup_inputs(seed: int = 0) -> dict:
    key = jax.random.key(seed)
    k1, k2, k3, k4 = jax.random.split(key, 4)
    # categorical part: integer ids in [0, vocab), stored as float (single mixed tensor)
    cat = jax.random.randint(k1, (BATCH, NUM_CATEGORICAL), 0, VOCAB).astype(jnp.float32)
    # numerical part: continuous features
    num = jax.random.normal(k2, (BATCH, N_FIELDS - NUM_CATEGORICAL), dtype=jnp.float32)
    x = jnp.concatenate([cat, num], axis=1)
    # learned params
    table = jax.random.normal(k3, (VOCAB, DIM), dtype=jnp.float32) * 0.05  # Embedding(dim*2, dim)
    W_num = jax.random.normal(k4, (1, DIM), dtype=jnp.float32) * 0.05      # Dense(dim) on last axis of [b, n_num, 1]
    b_num = jnp.zeros((DIM,), dtype=jnp.float32)
    return {"x": x, "table": table, "W_num": W_num, "b_num": b_num}

def reference(x, table, W_num, b_num):
    b, n = x.shape
    categorical_x = x[:, :NUM_CATEGORICAL]
    numerical_x = x[:, NUM_CATEGORICAL:]
    numerical_x = jnp.reshape(numerical_x, (b, n - NUM_CATEGORICAL, 1))
    # embedding lookup (gather)
    idx = categorical_x.astype(jnp.int32)
    embedded_cat = jnp.take(table, idx, axis=0)           # [b, num_cat, dim]
    # Dense(dim, relu) applied to last axis (size 1)
    embedded_num = jax.nn.relu(numerical_x @ W_num + b_num)  # [b, n_num, dim]
    embedded_x = jnp.concatenate([embedded_cat, embedded_num], axis=1)  # [b, n, dim]
    return embedded_x

if __name__ == "__main__":
    import jax
    _d = setup_inputs()
    print(jax.jit(kernel)(*tuple(_d.values())))

</pallas_src>

<mosaic_0001>
#map = affine_map<(d0, d1) -> (0, 0)>
#map1 = affine_map<(d0, d1) -> (0, 0, 0)>
module attributes {stable_mosaic.version = 14 : i64} {
  func.func @_sc_gather(%arg0: i32, %arg1: i32, %arg2: memref<256x128xf32, #tpu.memory_space<hbm>>, %arg3: memref<32x128x104xi32, #tpu.memory_space<hbm>>, %arg4: memref<638976x128xf32, #tpu.memory_space<hbm>>, %arg5: memref<256x128xf32, #tpu.memory_space<vmem_shared>>, %arg6: memref<128x104xi32, #tpu.memory_space<vmem>>, %arg7: memref<104x128xf32, #tpu.memory_space<vmem>>, %arg8: memref<104x128xf32, #tpu.memory_space<vmem>>, %arg9: memref<104x128xf32, #tpu.memory_space<vmem>>, %arg10: memref<104x128xf32, #tpu.memory_space<vmem>>, %arg11: memref<104x128xf32, #tpu.memory_space<vmem>>, %arg12: memref<104x128xf32, #tpu.memory_space<vmem>>, %arg13: memref<104x128xf32, #tpu.memory_space<vmem>>, %arg14: memref<104x128xf32, #tpu.memory_space<vmem>>, %arg15: memref<!tpu.dma_semaphore, #tpu.memory_space<semaphore_mem>>, %arg16: memref<!tpu.dma_semaphore, #tpu.memory_space<semaphore_mem>>, %arg17: memref<!tpu.dma_semaphore, #tpu.memory_space<semaphore_mem>>, %arg18: memref<!tpu.dma_semaphore, #tpu.memory_space<semaphore_mem>>, %arg19: memref<!tpu.dma_semaphore, #tpu.memory_space<semaphore_mem>>, %arg20: memref<!tpu.dma_semaphore, #tpu.memory_space<semaphore_mem>>, %arg21: memref<!tpu.dma_semaphore, #tpu.memory_space<semaphore_mem>>, %arg22: memref<!tpu.dma_semaphore, #tpu.memory_space<semaphore_mem>>, %arg23: memref<!tpu.dma_semaphore, #tpu.memory_space<semaphore_mem>>, %arg24: memref<!tpu.dma_semaphore, #tpu.memory_space<semaphore_mem>>, %arg25: memref<!tpu.dma_semaphore, #tpu.memory_space<semaphore_mem>>, %arg26: memref<!tpu.dma_semaphore, #tpu.memory_space<semaphore_mem>>, %arg27: memref<!tpu.dma_semaphore, #tpu.memory_space<semaphore_mem>>, %arg28: memref<!tpu.dma_semaphore, #tpu.memory_space<semaphore_mem>>, %arg29: memref<!tpu.dma_semaphore, #tpu.memory_space<semaphore_mem>>, %arg30: memref<!tpu.dma_semaphore, #tpu.memory_space<semaphore_mem>>) attributes {dimension_semantics = [#tpu.dimension_semantics<core_parallel>, #tpu.dimension_semantics<subcore_parallel>], iteration_bounds = array<i64: 2, 16>, scalar_prefetch = 0 : i64, scratch_operands = 26 : i64, tpu.core_type = #tpu.core_type<sc_vector_subcore>, window_params = [{transform_indices = #map}, {transform_indices = #map1}, {transform_indices = #map}]} {
    %mul3A = arith.constant 2 : i32
    %mul3A_0 = arith.muli %arg1, %mul3A : i32
    %add3A = arith.addi %mul3A_0, %arg0 : i32
    %mul3A_1 = arith.constant 13312 : i32
    %mul3A_2 = arith.muli %add3A, %mul3A_1 : i32
    "tpu.region"() ({
      %run_scoped3A = tpu.sem_alloc : memref<!tpu.dma_semaphore, #tpu.memory_space<semaphore_mem>>
      %dma_start3A = arith.constant 0 : i32
      %dma_start3A_57 = arith.constant 0 : i32
      %dma_start3A_58 = tpu.memref_slice %arg3[%add3A, %dma_start3A, %dma_start3A_57] : memref<32x128x104xi32, #tpu.memory_space<hbm>> -> memref<1x128x104xi32, #tpu.memory_space<hbm>>
      %dma_start3A_59 = tpu.memref_squeeze %dma_start3A_58 : memref<1x128x104xi32, #tpu.memory_space<hbm>> -> memref<128x104xi32, #tpu.memory_space<hbm>>
      %dma_start3A_60 = arith.constant 0 : i32
      %dma_start3A_61 = arith.constant 0 : i32
      %dma_start3A_62 = tpu.memref_slice %arg3[%add3A, %dma_start3A_60, %dma_start3A_61] : memref<32x128x104xi32, #tpu.memory_space<hbm>> -> memref<1x128x104xi32, #tpu.memory_space<hbm>>
      %dma_start3A_63 = tpu.memref_squeeze %dma_start3A_62 : memref<1x128x104xi32, #tpu.memory_space<hbm>> -> memref<128x104xi32, #tpu.memory_space<hbm>>
      tpu.enqueue_dma source(%dma_start3A_63 : memref<128x104xi32, #tpu.memory_space<hbm>>) target(%arg6 : memref<128x104xi32, #tpu.memory_space<vmem>>) target_semaphore(%run_scoped3A : memref<!tpu.dma_semaphore, #tpu.memory_space<semaphore_mem>>)
      %dma_wait3A_64 = arith.constant 0 : i32
      %dma_wait3A_65 = arith.constant 0 : i32
      %dma_wait3A_66 = tpu.memref_slice %arg3[%add3A, %dma_wait3A_64, %dma_wait3A_65] : memref<32x128x104xi32, #tpu.memory_space<hbm>> -> memref<1x128x104xi32, #tpu.memory_space<hbm>>
      %dma_wait3A_67 = tpu.memref_squeeze %dma_wait3A_66 : memref<1x128x104xi32, #tpu.memory_space<hbm>> -> memref<128x104xi32, #tpu.memory_space<hbm>>
      %dma_wait3A_68 = arith.constant 0 : i32
      %dma_wait3A_69 = arith.constant 0 : i32
      %dma_wait3A_70 = tpu.memref_slice %arg3[%add3A, %dma_wait3A_68, %dma_wait3A_69] : memref<32x128x104xi32, #tpu.memory_space<hbm>> -> memref<1x128x104xi32, #tpu.memory_space<hbm>>
      %dma_wait3A_71 = tpu.memref_squeeze %dma_wait3A_70 : memref<1x128x104xi32, #tpu.memory_space<hbm>> -> memref<128x104xi32, #tpu.memory_space<hbm>>
      tpu.wait_dma2 semaphore(%run_scoped3A : memref<!tpu.dma_semaphore, #tpu.memory_space<semaphore_mem>>) src(%dma_wait3A_71 : memref<128x104xi32, #tpu.memory_space<hbm>>) dst(%arg6 : memref<128x104xi32, #tpu.memory_space<vmem>>)
      tpu.yield
    }) : () -> ()
    %eq3A = arith.constant 0 : i32
    %eq3A_3 = arith.cmpi eq, %arg1, %eq3A : i32
    %convert_element_type3A = arith.extui %eq3A_3 : i1 to i32
    %cond3A = arith.constant 0 : i32
    %cond3A_4 = arith.cmpi ne, %convert_element_type3A, %cond3A : i32
    scf.if %cond3A_4 {
      "tpu.region"() ({
        %run_scoped3A = tpu.sem_alloc : memref<!tpu.dma_semaphore, #tpu.memory_space<semaphore_mem>>
        tpu.enqueue_dma source(%arg2 : memref<256x128xf32, #tpu.memory_space<hbm>>) target(%arg5 : memref<256x128xf32, #tpu.memory_space<vmem_shared>>) target_semaphore(%run_scoped3A : memref<!tpu.dma_semaphore, #tpu.memory_space<semaphore_mem>>)
        tpu.wait_dma2 semaphore(%run_scoped3A : memref<!tpu.dma_semaphore, #tpu.memory_space<semaphore_mem>>) src(%arg2 : memref<256x128xf32, #tpu.memory_space<hbm>>) dst(%arg5 : memref<256x128xf32, #tpu.memory_space<vmem_shared>>)
        tpu.yield
      }) : () -> ()
    } else {
    }
    %barrier3A = arith.constant 0 : index
    tpu.barrier barrier_id(%barrier3A)
    %scan3A = arith.constant 0 : i32
    %scan3A_5 = arith.constant 0 : i32
    %scan3A_6 = arith.constant 16 : i32
    %scan3A_7 = arith.addi %scan3A_5, %scan3A_6 : i32
    %scan3A_8 = arith.constant 1 : i32
    scf.for %scan3A_57 = %scan3A_5 to %scan3A_7 step %scan3A_8  : i32 {
      %mul3A_58 = arith.constant 8 : i32
      %mul3A_59 = arith.muli %scan3A_57, %mul3A_58 : i32
      %add3A_60 = arith.constant 0 : i32
      %add3A_61 = arith.addi %mul3A_59, %add3A_60 : i32
      %gt3A = arith.constant 0 : i32
      %gt3A_62 = arith.cmpi sgt, %scan3A_57, %gt3A : i32
      %convert_element_type3A_63 = arith.extui %gt3A_62 : i1 to i32
      %cond3A_64 = arith.constant 0 : i32
      %cond3A_65 = arith.cmpi ne, %convert_element_type3A_63, %cond3A_64 : i32
      scf.if %cond3A_65 {
        %sub3A = arith.constant 8 : i32
        %sub3A_312 = arith.subi %add3A_61, %sub3A : i32
        %mul3A_313 = arith.constant 104 : i32
        %mul3A_314 = arith.muli %sub3A_312, %mul3A_313 : i32
        %add3A_315 = arith.addi %mul3A_2, %mul3A_314 : i32
        %dma_wait3A_316 = arith.constant 0 : i32
        %dma_wait3A_317 = tpu.memref_slice %arg4[%add3A_315, %dma_wait3A_316] : memref<638976x128xf32, #tpu.memory_space<hbm>> -> memref<104x128xf32, #tpu.memory_space<hbm>>
        %dma_wait3A_318 = arith.constant 0 : i32
        %dma_wait3A_319 = tpu.memref_slice %arg4[%add3A_315, %dma_wait3A_318] : memref<638976x128xf32, #tpu.memory_space<hbm>> -> memref<104x128xf32, #tpu.memory_space<hbm>>
        tpu.wait_dma2 semaphore(%arg23 : memref<!tpu.dma_semaphore, #tpu.memory_space<semaphore_mem>>) src(%arg7 : memref<104x128xf32, #tpu.memory_space<vmem>>) dst(%dma_wait3A_319 : memref<104x128xf32, #tpu.memory_space<hbm>>)
      } else {
      }
      %dma_start3A = arith.constant 0 : i32
      %dma_start3A_66 = tpu.memref_slice %arg6[%add3A_61, %dma_start3A] : memref<128x104xi32, #tpu.memory_space<vmem>> -> memref<1x104xi32, #tpu.memory_space<vmem>>
      %dma_start3A_67 = tpu.memref_squeeze %dma_start3A_66 : memref<1x104xi32, #tpu.memory_space<vmem>> -> memref<104xi32, #tpu.memory_space<vmem>>
      %dma_start3A_68 = arith.constant 0 : i32
      %dma_start3A_69 = arith.constant 0 : i32
      %dma_start3A_70 = tpu.memref_slice %arg5[%dma_start3A_68, %dma_start3A_69] : memref<256x128xf32, #tpu.memory_space<vmem_shared>> -> memref<256x128xf32, #tpu.memory_space<vmem_shared>>
      tpu.enqueue_indirect_dma source(%dma_start3A_70 : memref<256x128xf32, #tpu.memory_space<vmem_shared>>) target(%arg7 : memref<104x128xf32, #tpu.memory_space<vmem>>) offsets(%dma_start3A_67 : memref<104xi32, #tpu.memory_space<vmem>>) semaphore(%arg15 : memref<!tpu.dma_semaphore, #tpu.memory_space<semaphore_mem>>)
      %mul3A_71 = arith.constant 8 : i32
      %mul3A_72 = arith.muli %scan3A_57, %mul3A_71 : i32
      %add3A_73 = arith.constant 1 : i32
      %add3A_74 = arith.addi %mul3A_72, %add3A_73 : i32
      %gt3A_75 = arith.constant 0 : i32
      %gt3A_76 = arith.cmpi sgt, %scan3A_57, %gt3A_75 : i32
      %convert_element_type3A_77 = arith.extui %gt3A_76 : i1 to i32
      %cond3A_78 = arith.constant 0 : i32
      %cond3A_79 = arith.cmpi ne, %convert_element_type3A_77, %cond3A_78 : i32
      scf.if %cond3A_79 {
        %sub3A = arith.constant 8 : i32
        %sub3A_312 = arith.subi %add3A_74, %sub3A : i32
        %mul3A_313 = arith.constant 104 : i32
        %mul3A_314 = arith.muli %sub3A_312, %mul3A_313 : i32
        %add3A_315 = arith.addi %mul3A_2, %mul3A_314 : i32
        %dma_wait3A_316 = arith.constant 0 : i32
        %dma_wait3A_317 = tpu.memref_slice %arg4[%add3A_315, %dma_wait3A_316] : memref<638976x128xf32, #tpu.memory_space<hbm>> -> memref<104x128xf32, #tpu.memory_space<hbm>>
        %dma_wait3A_318 = arith.constant 0 : i32
        %dma_wait3A_319 = tpu.memref_slice %arg4[%add3A_315, %dma_wait3A_318] : memref<638976x128xf32, #tpu.memory_space<hbm>> -> memref<104x128xf32, #tpu.memory_space<hbm>>
        tpu.wait_dma2 semaphore(%arg24 : memref<!tpu.dma_semaphore, #tpu.memory_space<semaphore_mem>>) src(%arg8 : memref<104x128xf32, #tpu.memory_space<vmem>>) dst(%dma_wait3A_319 : memref<104x128xf32, #tpu.memory_space<hbm>>)
      } else {
      }
      %dma_start3A_80 = arith.constant 0 : i32
      %dma_start3A_81 = tpu.memref_slice %arg6[%add3A_74, %dma_start3A_80] : memref<128x104xi32, #tpu.memory_space<vmem>> -> memref<1x104xi32, #tpu.memory_space<vmem>>
      %dma_start3A_82 = tpu.memref_squeeze %dma_start3A_81 : memref<1x104xi32, #tpu.memory_space<vmem>> -> memref<104xi32, #tpu.memory_space<vmem>>
      %dma_start3A_83 = arith.constant 0 : i32
      %dma_start3A_84 = arith.constant 0 : i32
      %dma_start3A_85 = tpu.memref_slice %arg5[%dma_start3A_83, %dma_start3A_84] : memref<256x128xf32, #tpu.memory_space<vmem_shared>> -> memref<256x128xf32, #tpu.memory_space<vmem_shared>>
      tpu.enqueue_indirect_dma source(%dma_start3A_85 : memref<256x128xf32, #tpu.memory_space<vmem_shared>>) target(%arg8 : memref<104x128xf32, #tpu.memory_space<vmem>>) offsets(%dma_start3A_82 : memref<104xi32, #tpu.memory_space<vmem>>) semaphore(%arg16 : memref<!tpu.dma_semaphore, #tpu.memory_space<semaphore_mem>>)
      %mul3A_86 = arith.constant 8 : i32
      %mul3A_87 = arith.muli %scan3A_57, %mul3A_86 : i32
      %add3A_88 = arith.constant 2 : i32
      %add3A_89 = arith.addi %mul3A_87, %add3A_88 : i32
      %gt3A_90 = arith.constant 0 : i32
      %gt3A_91 = arith.cmpi sgt, %scan3A_57, %gt3A_90 : i32
      %convert_element_type3A_92 = arith.extui %gt3A_91 : i1 to i32
      %cond3A_93 = arith.constant 0 : i32
      %cond3A_94 = arith.cmpi ne, %convert_element_type3A_92, %cond3A_93 : i32
      scf.if %cond3A_94 {
        %sub3A = arith.constant 8 : i32
        %sub3A_312 = arith.subi %add3A_89, %sub3A : i32
        %mul3A_313 = arith.constant 104 : i32
        %mul3A_314 = arith.muli %sub3A_312, %mul3A_313 : i32
        %add3A_315 = arith.addi %mul3A_2, %mul3A_314 : i32
        %dma_wait3A_316 = arith.constant 0 : i32
        %dma_wait3A_317 = tpu.memref_slice %arg4[%add3A_315, %dma_wait3A_316] : memref<638976x128xf32, #tpu.memory_space<hbm>> -> memref<104x128xf32, #tpu.memory_space<hbm>>
        %dma_wait3A_318 = arith.constant 0 : i32
        %dma_wait3A_319 = tpu.memref_slice %arg4[%add3A_315, %dma_wait3A_318] : memref<638976x128xf32, #tpu.memory_space<hbm>> -> memref<104x128xf32, #tpu.memory_space<hbm>>
        tpu.wait_dma2 semaphore(%arg25 : memref<!tpu.dma_semaphore, #tpu.memory_space<semaphore_mem>>) src(%arg9 : memref<104x128xf32, #tpu.memory_space<vmem>>) dst(%dma_wait3A_319 : memref<104x128xf32, #tpu.memory_space<hbm>>)
      } else {
      }
      %dma_start3A_95 = arith.constant 0 : i32
      %dma_start3A_96 = tpu.memref_slice %arg6[%add3A_89, %dma_start3A_95] : memref<128x104xi32, #tpu.memory_space<vmem>> -> memref<1x104xi32, #tpu.memory_space<vmem>>
      %dma_start3A_97 = tpu.memref_squeeze %dma_start3A_96 : memref<1x104xi32, #tpu.memory_space<vmem>> -> memref<104xi32, #tpu.memory_space<vmem>>
      %dma_start3A_98 = arith.constant 0 : i32
      %dma_start3A_99 = arith.constant 0 : i32
      %dma_start3A_100 = tpu.memref_slice %arg5[%dma_start3A_98, %dma_start3A_99] : memref<256x128xf32, #tpu.memory_space<vmem_shared>> -> memref<256x128xf32, #tpu.memory_space<vmem_shared>>
      tpu.enqueue_indirect_dma source(%dma_start3A_100 : memref<256x128xf32, #tpu.memory_space<vmem_shared>>) target(%arg9 : memref<104x128xf32, #tpu.memory_space<vmem>>) offsets(%dma_start3A_97 : memref<104xi32, #tpu.memory_space<vmem>>) semaphore(%arg17 : memref<!tpu.dma_semaphore, #tpu.memory_space<semaphore_mem>>)
      %mul3A_101 = arith.constant 8 : i32
      %mul3A_102 = arith.muli %scan3A_57, %mul3A_101 : i32
      %add3A_103 = arith.constant 3 : i32
      %add3A_104 = arith.addi %mul3A_102, %add3A_103 : i32
      %gt3A_105 = arith.constant 0 : i32
      %gt3A_106 = arith.cmpi sgt, %scan3A_57, %gt3A_105 : i32
      %convert_element_type3A_107 = arith.extui %gt3A_106 : i1 to i32
      %cond3A_108 = arith.constant 0 : i32
      %cond3A_109 = arith.cmpi ne, %convert_element_type3A_107, %cond3A_108 : i32
      scf.if %cond3A_109 {
        %sub3A = arith.constant 8 : i32
        %sub3A_312 = arith.subi %add3A_104, %sub3A : i32
        %mul3A_313 = arith.constant 104 : i32
        %mul3A_314 = arith.muli %sub3A_312, %mul3A_313 : i32
        %add3A_315 = arith.addi %mul3A_2, %mul3A_314 : i32
        %dma_wait3A_316 = arith.constant 0 : i32
        %dma_wait3A_317 = tpu.memref_slice %arg4[%add3A_315, %dma_wait3A_316] : memref<638976x128xf32, #tpu.memory_space<hbm>> -> memref<104x128xf32, #tpu.memory_space<hbm>>
        %dma_wait3A_318 = arith.constant 0 : i32
        %dma_wait3A_319 = tpu.memref_slice %arg4[%add3A_315, %dma_wait3A_318] : memref<638976x128xf32, #tpu.memory_space<hbm>> -> memref<104x128xf32, #tpu.memory_space<hbm>>
        tpu.wait_dma2 semaphore(%arg26 : memref<!tpu.dma_semaphore, #tpu.memory_space<semaphore_mem>>) src(%arg10 : memref<104x128xf32, #tpu.memory_space<vmem>>) dst(%dma_wait3A_319 : memref<104x128xf32, #tpu.memory_space<hbm>>)
      } else {
      }
      %dma_start3A_110 = arith.constant 0 : i32
      %dma_start3A_111 = tpu.memref_slice %arg6[%add3A_104, %dma_start3A_110] : memref<128x104xi32, #tpu.memory_space<vmem>> -> memref<1x104xi32, #tpu.memory_space<vmem>>
      %dma_start3A_112 = tpu.memref_squeeze %dma_start3A_111 : memref<1x104xi32, #tpu.memory_space<vmem>> -> memref<104xi32, #tpu.memory_space<vmem>>
      %dma_start3A_113 = arith.constant 0 : i32
      %dma_start3A_114 = arith.constant 0 : i32
      %dma_start3A_115 = tpu.memref_slice %arg5[%dma_start3A_113, %dma_start3A_114] : memref<256x128xf32, #tpu.memory_space<vmem_shared>> -> memref<256x128xf32, #tpu.memory_space<vmem_shared>>
      tpu.enqueue_indirect_dma source(%dma_start3A_115 : memref<256x128xf32, #tpu.memory_space<vmem_shared>>) target(%arg10 : memref<104x128xf32, #tpu.memory_space<vmem>>) offsets(%dma_start3A_112 : memref<104xi32, #tpu.memory_space<vmem>>) semaphore(%arg18 : memref<!tpu.dma_semaphore, #tpu.memory_space<semaphore_mem>>)
      %mul3A_116 = arith.constant 8 : i32
      %mul3A_117 = arith.muli %scan3A_57, %mul3A_116 : i32
      %add3A_118 = arith.constant 4 : i32
      %add3A_119 = arith.addi %mul3A_117, %add3A_118 : i32
      %gt3A_120 = arith.constant 0 : i32
      %gt3A_121 = arith.cmpi sgt, %scan3A_57, %gt3A_120 : i32
      %convert_element_type3A_122 = arith.extui %gt3A_121 : i1 to i32
      %cond3A_123 = arith.constant 0 : i32
      %cond3A_124 = arith.cmpi ne, %convert_element_type3A_122, %cond3A_123 : i32
      scf.if %cond3A_124 {
        %sub3A = arith.constant 8 : i32
        %sub3A_312 = arith.subi %add3A_119, %sub3A : i32
        %mul3A_313 = arith.constant 104 : i32
        %mul3A_314 = arith.muli %sub3A_312, %mul3A_313 : i32
        %add3A_315 = arith.addi %mul3A_2, %mul3A_314 : i32
        %dma_wait3A_316 = arith.constant 0 : i32
        %dma_wait3A_317 = tpu.memref_slice %arg4[%add3A_315, %dma_wait3A_316] : memref<638976x128xf32, #tpu.memory_space<hbm>> -> memref<104x128xf32, #tpu.memory_space<hbm>>
        %dma_wait3A_318 = arith.constant 0 : i32
        %dma_wait3A_319 = tpu.memref_slice %arg4[%add3A_315, %dma_wait3A_318] : memref<638976x128xf32, #tpu.memory_space<hbm>> -> memref<104x128xf32, #tpu.memory_space<hbm>>
        tpu.wait_dma2 semaphore(%arg27 : memref<!tpu.dma_semaphore, #tpu.memory_space<semaphore_mem>>) src(%arg11 : memref<104x128xf32, #tpu.memory_space<vmem>>) dst(%dma_wait3A_319 : memref<104x128xf32, #tpu.memory_space<hbm>>)
      } else {
      }
      %dma_start3A_125 = arith.constant 0 : i32
      %dma_start3A_126 = tpu.memref_slice %arg6[%add3A_119, %dma_start3A_125] : memref<128x104xi32, #tpu.memory_space<vmem>> -> memref<1x104xi32, #tpu.memory_space<vmem>>
      %dma_start3A_127 = tpu.memref_squeeze %dma_start3A_126 : memref<1x104xi32, #tpu.memory_space<vmem>> -> memref<104xi32, #tpu.memory_space<vmem>>
      %dma_start3A_128 = arith.constant 0 : i32
      %dma_start3A_129 = arith.constant 0 : i32
      %dma_start3A_130 = tpu.memref_slice %arg5[%dma_start3A_128, %dma_start3A_129] : memref<256x128xf32, #tpu.memory_space<vmem_shared>> -> memref<256x128xf32, #tpu.memory_space<vmem_shared>>
      tpu.enqueue_indirect_dma source(%dma_start3A_130 : memref<256x128xf32, #tpu.memory_space<vmem_shared>>) target(%arg11 : memref<104x128xf32, #tpu.memory_space<vmem>>) offsets(%dma_start3A_127 : memref<104xi32, #tpu.memory_space<vmem>>) semaphore(%arg19 : memref<!tpu.dma_semaphore, #tpu.memory_space<semaphore_mem>>)
      %mul3A_131 = arith.constant 8 : i32
      %mul3A_132 = arith.muli %scan3A_57, %mul3A_131 : i32
      %add3A_133 = arith.constant 5 : i32
      %add3A_134 = arith.addi %mul3A_132, %add3A_133 : i32
      %gt3A_135 = arith.constant 0 : i32
      %gt3A_136 = arith.cmpi sgt, %scan3A_57, %gt3A_135 : i32
      %convert_element_type3A_137 = arith.extui %gt3A_136 : i1 to i32
      %cond3A_138 = arith.constant 0 : i32
      %cond3A_139 = arith.cmpi ne, %convert_element_type3A_137, %cond3A_138 : i32
      scf.if %cond3A_139 {
        %sub3A = arith.constant 8 : i32
        %sub3A_312 = arith.subi %add3A_134, %sub3A : i32
        %mul3A_313 = arith.constant 104 : i32
        %mul3A_314 = arith.muli %sub3A_312, %mul3A_313 : i32
        %add3A_315 = arith.addi %mul3A_2, %mul3A_314 : i32
        %dma_wait3A_316 = arith.constant 0 : i32
        %dma_wait3A_317 = tpu.memref_slice %arg4[%add3A_315, %dma_wait3A_316] : memref<638976x128xf32, #tpu.memory_space<hbm>> -> memref<104x128xf32, #tpu.memory_space<hbm>>
        %dma_wait3A_318 = arith.constant 0 : i32
        %dma_wait3A_319 = tpu.memref_slice %arg4[%add3A_315, %dma_wait3A_318] : memref<638976x128xf32, #tpu.memory_space<hbm>> -> memref<104x128xf32, #tpu.memory_space<hbm>>
        tpu.wait_dma2 semaphore(%arg28 : memref<!tpu.dma_semaphore, #tpu.memory_space<semaphore_mem>>) src(%arg12 : memref<104x128xf32, #tpu.memory_space<vmem>>) dst(%dma_wait3A_319 : memref<104x128xf32, #tpu.memory_space<hbm>>)
      } else {
      }
      %dma_start3A_140 = arith.constant 0 : i32
      %dma_start3A_141 = tpu.memref_slice %arg6[%add3A_134, %dma_start3A_140] : memref<128x104xi32, #tpu.memory_space<vmem>> -> memref<1x104xi32, #tpu.memory_space<vmem>>
      %dma_start3A_142 = tpu.memref_squeeze %dma_start3A_141 : memref<1x104xi32, #tpu.memory_space<vmem>> -> memref<104xi32, #tpu.memory_space<vmem>>
      %dma_start3A_143 = arith.constant 0 : i32
      %dma_start3A_144 = arith.constant 0 : i32
      %dma_start3A_145 = tpu.memref_slice %arg5[%dma_start3A_143, %dma_start3A_144] : memref<256x128xf32, #tpu.memory_space<vmem_shared>> -> memref<256x128xf32, #tpu.memory_space<vmem_shared>>
      tpu.enqueue_indirect_dma source(%dma_start3A_145 : memref<256x128xf32, #tpu.memory_space<vmem_shared>>) target(%arg12 : memref<104x128xf32, #tpu.memory_space<vmem>>) offsets(%dma_start3A_142 : memref<104xi32, #tpu.memory_space<vmem>>) semaphore(%arg20 : memref<!tpu.dma_semaphore, #tpu.memory_space<semaphore_mem>>)
      %mul3A_146 = arith.constant 8 : i32
      %mul3A_147 = arith.muli %scan3A_57, %mul3A_146 : i32
      %add3A_148 = arith.constant 6 : i32
      %add3A_149 = arith.addi %mul3A_147, %add3A_148 : i32
      %gt3A_150 = arith.constant 0 : i32
      %gt3A_151 = arith.cmpi sgt, %scan3A_57, %gt3A_150 : i32
      %convert_element_type3A_152 = arith.extui %gt3A_151 : i1 to i32
      %cond3A_153 = arith.constant 0 : i32
      %cond3A_154 = arith.cmpi ne, %convert_element_type3A_152, %cond3A_153 : i32
      scf.if %cond3A_154 {
        %sub3A = arith.constant 8 : i32
        %sub3A_312 = arith.subi %add3A_149, %sub3A : i32
        %mul3A_313 = arith.constant 104 : i32
        %mul3A_314 = arith.muli %sub3A_312, %mul3A_313 : i32
        %add3A_315 = arith.addi %mul3A_2, %mul3A_314 : i32
        %dma_wait3A_316 = arith.constant 0 : i32
        %dma_wait3A_317 = tpu.memref_slice %arg4[%add3A_315, %dma_wait3A_316] : memref<638976x128xf32, #tpu.memory_space<hbm>> -> memref<104x128xf32, #tpu.memory_space<hbm>>
        %dma_wait3A_318 = arith.constant 0 : i32
        %dma_wait3A_319 = tpu.memref_slice %arg4[%add3A_315, %dma_wait3A_318] : memref<638976x128xf32, #tpu.memory_space<hbm>> -> memref<104x128xf32, #tpu.memory_space<hbm>>
        tpu.wait_dma2 semaphore(%arg29 : memref<!tpu.dma_semaphore, #tpu.memory_space<semaphore_mem>>) src(%arg13 : memref<104x128xf32, #tpu.memory_space<vmem>>) dst(%dma_wait3A_319 : memref<104x128xf32, #tpu.memory_space<hbm>>)
      } else {
      }
      %dma_start3A_155 = arith.constant 0 : i32
      %dma_start3A_156 = tpu.memref_slice %arg6[%add3A_149, %dma_start3A_155] : memref<128x104xi32, #tpu.memory_space<vmem>> -> memref<1x104xi32, #tpu.memory_space<vmem>>
      %dma_start3A_157 = tpu.memref_squeeze %dma_start3A_156 : memref<1x104xi32, #tpu.memory_space<vmem>> -> memref<104xi32, #tpu.memory_space<vmem>>
      %dma_start3A_158 = arith.constant 0 : i32
      %dma_start3A_159 = arith.constant 0 : i32
      %dma_start3A_160 = tpu.memref_slice %arg5[%dma_start3A_158, %dma_start3A_159] : memref<256x128xf32, #tpu.memory_space<vmem_shared>> -> memref<256x128xf32, #tpu.memory_space<vmem_shared>>
      tpu.enqueue_indirect_dma source(%dma_start3A_160 : memref<256x128xf32, #tpu.memory_space<vmem_shared>>) target(%arg13 : memref<104x128xf32, #tpu.memory_space<vmem>>) offsets(%dma_start3A_157 : memref<104xi32, #tpu.memory_space<vmem>>) semaphore(%arg21 : memref<!tpu.dma_semaphore, #tpu.memory_space<semaphore_mem>>)
      %mul3A_161 = arith.constant 8 : i32
      %mul3A_162 = arith.muli %scan3A_57, %mul3A_161 : i32
      %add3A_163 = arith.constant 7 : i32
      %add3A_164 = arith.addi %mul3A_162, %add3A_163 : i32
      %gt3A_165 = arith.constant 0 : i32
      %gt3A_166 = arith.cmpi sgt, %scan3A_57, %gt3A_165 : i32
      %convert_element_type3A_167 = arith.extui %gt3A_166 : i1 to i32
      %cond3A_168 = arith.constant 0 : i32
      %cond3A_169 = arith.cmpi ne, %convert_element_type3A_167, %cond3A_168 : i32
      scf.if %cond3A_169 {
        %sub3A = arith.constant 8 : i32
        %sub3A_312 = arith.subi %add3A_164, %sub3A : i32
        %mul3A_313 = arith.constant 104 : i32
        %mul3A_314 = arith.muli %sub3A_312, %mul3A_313 : i32
        %add3A_315 = arith.addi %mul3A_2, %mul3A_314 : i32
        %dma_wait3A_316 = arith.constant 0 : i32
        %dma_wait3A_317 = tpu.memref_slice %arg4[%add3A_315, %dma_wait3A_316] : memref<638976x128xf32, #tpu.memory_space<hbm>> -> memref<104x128xf32, #tpu.memory_space<hbm>>
        %dma_wait3A_318 = arith.constant 0 : i32
        %dma_wait3A_319 = tpu.memref_slice %arg4[%add3A_315, %dma_wait3A_318] : memref<638976x128xf32, #tpu.memory_space<hbm>> -> memref<104x128xf32, #tpu.memory_space<hbm>>
        tpu.wait_dma2 semaphore(%arg30 : memref<!tpu.dma_semaphore, #tpu.memory_space<semaphore_mem>>) src(%arg14 : memref<104x128xf32, #tpu.memory_space<vmem>>) dst(%dma_wait3A_319 : memref<104x128xf32, #tpu.memory_space<hbm>>)
      } else {
      }
      %dma_start3A_170 = arith.constant 0 : i32
      %dma_start3A_171 = tpu.memref_slice %arg6[%add3A_164, %dma_start3A_170] : memref<128x104xi32, #tpu.memory_space<vmem>> -> memref<1x104xi32, #tpu.memory_space<vmem>>
      %dma_start3A_172 = tpu.memref_squeeze %dma_start3A_171 : memref<1x104xi32, #tpu.memory_space<vmem>> -> memref<104xi32, #tpu.memory_space<vmem>>
      %dma_start3A_173 = arith.constant 0 : i32
      %dma_start3A_174 = arith.constant 0 : i32
      %dma_start3A_175 = tpu.memref_slice %arg5[%dma_start3A_173, %dma_start3A_174] : memref<256x128xf32, #tpu.memory_space<vmem_shared>> -> memref<256x128xf32, #tpu.memory_space<vmem_shared>>
      tpu.enqueue_indirect_dma source(%dma_start3A_175 : memref<256x128xf32, #tpu.memory_space<vmem_shared>>) target(%arg14 : memref<104x128xf32, #tpu.memory_space<vmem>>) offsets(%dma_start3A_172 : memref<104xi32, #tpu.memory_space<vmem>>) semaphore(%arg22 : memref<!tpu.dma_semaphore, #tpu.memory_space<semaphore_mem>>)
      %mul3A_176 = arith.constant 8 : i32
      %mul3A_177 = arith.muli %scan3A_57, %mul3A_176 : i32
      %add3A_178 = arith.constant 0 : i32
      %add3A_179 = arith.addi %mul3A_177, %add3A_178 : i32
      %dma_wait3A_180 = arith.constant 0 : i32
      %dma_wait3A_181 = tpu.memref_slice %arg6[%add3A_179, %dma_wait3A_180] : memref<128x104xi32, #tpu.memory_space<vmem>> -> memref<1x104xi32, #tpu.memory_space<vmem>>
      %dma_wait3A_182 = tpu.memref_squeeze %dma_wait3A_181 : memref<1x104xi32, #tpu.memory_space<vmem>> -> memref<104xi32, #tpu.memory_space<vmem>>
      %dma_wait3A_183 = arith.constant 0 : i32
      %dma_wait3A_184 = arith.constant 0 : i32
      %dma_wait3A_185 = tpu.memref_slice %arg5[%dma_wait3A_183, %dma_wait3A_184] : memref<256x128xf32, #tpu.memory_space<vmem_shared>> -> memref<256x128xf32, #tpu.memory_space<vmem_shared>>
      tpu.wait_indirect_dma semaphore(%arg15 : memref<!tpu.dma_semaphore, #tpu.memory_space<semaphore_mem>>) src(%dma_wait3A_185 : memref<256x128xf32, #tpu.memory_space<vmem_shared>>) dst(%arg7 : memref<104x128xf32, #tpu.memory_space<vmem>>)
      %mul3A_186 = arith.constant 104 : i32
      %mul3A_187 = arith.muli %add3A_179, %mul3A_186 : i32
      %add3A_188 = arith.addi %mul3A_2, %mul3A_187 : i32
      %dma_start3A_189 = arith.constant 0 : i32
      %dma_start3A_190 = tpu.memref_slice %arg4[%add3A_188, %dma_start3A_189] : memref<638976x128xf32, #tpu.memory_space<hbm>> -> memref<104x128xf32, #tpu.memory_space<hbm>>
      %dma_start3A_191 = arith.constant 0 : i32
      %dma_start3A_192 = tpu.memref_slice %arg4[%add3A_188, %dma_start3A_191] : memref<638976x128xf32, #tpu.memory_space<hbm>> -> memref<104x128xf32, #tpu.memory_space<hbm>>
      tpu.enqueue_dma source(%arg7 : memref<104x128xf32, #tpu.memory_space<vmem>>) target(%dma_start3A_192 : memref<104x128xf32, #tpu.memory_space<hbm>>) target_semaphore(%arg23 : memref<!tpu.dma_semaphore, #tpu.memory_space<semaphore_mem>>)
      %mul3A_193 = arith.constant 8 : i32
      %mul3A_194 = arith.muli %scan3A_57, %mul3A_193 : i32
      %add3A_195 = arith.constant 1 : i32
      %add3A_196 = arith.addi %mul3A_194, %add3A_195 : i32
      %dma_wait3A_197 = arith.constant 0 : i32
      %dma_wait3A_198 = tpu.memref_slice %arg6[%add3A_196, %dma_wait3A_197] : memref<128x104xi32, #tpu.memory_space<vmem>> -> memref<1x104xi32, #tpu.memory_space<vmem>>
      %dma_wait3A_199 = tpu.memref_squeeze %dma_wait3A_198 : memref<1x104xi32, #tpu.memory_space<vmem>> -> memref<104xi32, #tpu.memory_space<vmem>>
      %dma_wait3A_200 = arith.constant 0 : i32
      %dma_wait3A_201 = arith.constant 0 : i32
      %dma_wait3A_202 = tpu.memref_slice %arg5[%dma_wait3A_200, %dma_wait3A_201] : memref<256x128xf32, #tpu.memory_space<vmem_shared>> -> memref<256x128xf32, #tpu.memory_space<vmem_shared>>
      tpu.wait_indirect_dma semaphore(%arg16 : memref<!tpu.dma_semaphore, #tpu.memory_space<semaphore_mem>>) src(%dma_wait3A_202 : memref<256x128xf32, #tpu.memory_space<vmem_shared>>) dst(%arg8 : memref<104x128xf32, #tpu.memory_space<vmem>>)
      %mul3A_203 = arith.constant 104 : i32
      %mul3A_204 = arith.muli %add3A_196, %mul3A_203 : i32
      %add3A_205 = arith.addi %mul3A_2, %mul3A_204 : i32
      %dma_start3A_206 = arith.constant 0 : i32
      %dma_start3A_207 = tpu.memref_slice %arg4[%add3A_205, %dma_start3A_206] : memref<638976x128xf32, #tpu.memory_space<hbm>> -> memref<104x128xf32, #tpu.memory_space<hbm>>
      %dma_start3A_208 = arith.constant 0 : i32
      %dma_start3A_209 = tpu.memref_slice %arg4[%add3A_205, %dma_start3A_208] : memref<638976x128xf32, #tpu.memory_space<hbm>> -> memref<104x128xf32, #tpu.memory_space<hbm>>
      tpu.enqueue_dma source(%arg8 : memref<104x128xf32, #tpu.memory_space<vmem>>) target(%dma_start3A_209 : memref<104x128xf32, #tpu.memory_space<hbm>>) target_semaphore(%arg24 : memref<!tpu.dma_semaphore, #tpu.memory_space<semaphore_mem>>)
      %mul3A_210 = arith.constant 8 : i32
      %mul3A_211 = arith.muli %scan3A_57, %mul3A_210 : i32
      %add3A_212 = arith.constant 2 : i32
      %add3A_213 = arith.addi %mul3A_211, %add3A_212 : i32
      %dma_wait3A_214 = arith.constant 0 : i32
      %dma_wait3A_215 = tpu.memref_slice %arg6[%add3A_213, %dma_wait3A_214] : memref<128x104xi32, #tpu.memory_space<vmem>> -> memref<1x104xi32, #tpu.memory_space<vmem>>
      %dma_wait3A_216 = tpu.memref_squeeze %dma_wait3A_215 : memref<1x104xi32, #tpu.memory_space<vmem>> -> memref<104xi32, #tpu.memory_space<vmem>>
      %dma_wait3A_217 = arith.constant 0 : i32
      %dma_wait3A_218 = arith.constant 0 : i32
      %dma_wait3A_219 = tpu.memref_slice %arg5[%dma_wait3A_217, %dma_wait3A_218] : memref<256x128xf32, #tpu.memory_space<vmem_shared>> -> memref<256x128xf32, #tpu.memory_space<vmem_shared>>
      tpu.wait_indirect_dma semaphore(%arg17 : memref<!tpu.dma_semaphore, #tpu.memory_space<semaphore_mem>>) src(%dma_wait3A_219 : memref<256x128xf32, #tpu.memory_space<vmem_shared>>) dst(%arg9 : memref<104x128xf32, #tpu.memory_space<vmem>>)
      %mul3A_220 = arith.constant 104 : i32
      %mul3A_221 = arith.muli %add3A_213, %mul3A_220 : i32
      %add3A_222 = arith.addi %mul3A_2, %mul3A_221 : i32
      %dma_start3A_223 = arith.constant 0 : i32
      %dma_start3A_224 = tpu.memref_slice %arg4[%add3A_222, %dma_start3A_223] : memref<638976x128xf32, #tpu.memory_space<hbm>> -> memref<104x128xf32, #tpu.memory_space<hbm>>
      %dma_start3A_225 = arith.constant 0 : i32
      %dma_start3A_226 = tpu.memref_slice %arg4[%add3A_222, %dma_start3A_225] : memref<638976x128xf32, #tpu.memory_space<hbm>> -> memref<104x128xf32, #tpu.memory_space<hbm>>
      tpu.enqueue_dma source(%arg9 : memref<104x128xf32, #tpu.memory_space<vmem>>) target(%dma_start3A_226 : memref<104x128xf32, #tpu.memory_space<hbm>>) target_semaphore(%arg25 : memref<!tpu.dma_semaphore, #tpu.memory_space<semaphore_mem>>)
      %mul3A_227 = arith.constant 8 : i32
      %mul3A_228 = arith.muli %scan3A_57, %mul3A_227 : i32
      %add3A_229 = arith.constant 3 : i32
      %add3A_230 = arith.addi %mul3A_228, %add3A_229 : i32
      %dma_wait3A_231 = arith.constant 0 : i32
      %dma_wait3A_232 = tpu.memref_slice %arg6[%add3A_230, %dma_wait3A_231] : memref<128x104xi32, #tpu.memory_space<vmem>> -> memref<1x104xi32, #tpu.memory_space<vmem>>
      %dma_wait3A_233 = tpu.memref_squeeze %dma_wait3A_232 : memref<1x104xi32, #tpu.memory_space<vmem>> -> memref<104xi32, #tpu.memory_space<vmem>>
      %dma_wait3A_234 = arith.constant 0 : i32
      %dma_wait3A_235 = arith.constant 0 : i32
      %dma_wait3A_236 = tpu.memref_slice %arg5[%dma_wait3A_234, %dma_wait3A_235] : memref<256x128xf32, #tpu.memory_space<vmem_shared>> -> memref<256x128xf32, #tpu.memory_space<vmem_shared>>
      tpu.wait_indirect_dma semaphore(%arg18 : memref<!tpu.dma_semaphore, #tpu.memory_space<semaphore_mem>>) src(%dma_wait3A_236 : memref<256x128xf32, #tpu.memory_space<vmem_shared>>) dst(%arg10 : memref<104x128xf32, #tpu.memory_space<vmem>>)
      %mul3A_237 = arith.constant 104 : i32
      %mul3A_238 = arith.muli %add3A_230, %mul3A_237 : i32
      %add3A_239 = arith.addi %mul3A_2, %mul3A_238 : i32
      %dma_start3A_240 = arith.constant 0 : i32
      %dma_start3A_241 = tpu.memref_slice %arg4[%add3A_239, %dma_start3A_240] : memref<638976x128xf32, #tpu.memory_space<hbm>> -> memref<104x128xf32, #tpu.memory_space<hbm>>
      %dma_start3A_242 = arith.constant 0 : i32
      %dma_start3A_243 = tpu.memref_slice %arg4[%add3A_239, %dma_start3A_242] : memref<638976x128xf32, #tpu.memory_space<hbm>> -> memref<104x128xf32, #tpu.memory_space<hbm>>
      tpu.enqueue_dma source(%arg10 : memref<104x128xf32, #tpu.memory_space<vmem>>) target(%dma_start3A_243 : memref<104x128xf32, #tpu.memory_space<hbm>>) target_semaphore(%arg26 : memref<!tpu.dma_semaphore, #tpu.memory_space<semaphore_mem>>)
      %mul3A_244 = arith.constant 8 : i32
      %mul3A_245 = arith.muli %scan3A_57, %mul3A_244 : i32
      %add3A_246 = arith.constant 4 : i32
      %add3A_247 = arith.addi %mul3A_245, %add3A_246 : i32
      %dma_wait3A_248 = arith.constant 0 : i32
      %dma_wait3A_249 = tpu.memref_slice %arg6[%add3A_247, %dma_wait3A_248] : memref<128x104xi32, #tpu.memory_space<vmem>> -> memref<1x104xi32, #tpu.memory_space<vmem>>
      %dma_wait3A_250 = tpu.memref_squeeze %dma_wait3A_249 : memref<1x104xi32, #tpu.memory_space<vmem>> -> memref<104xi32, #tpu.memory_space<vmem>>
      %dma_wait3A_251 = arith.constant 0 : i32
      %dma_wait3A_252 = arith.constant 0 : i32
      %dma_wait3A_253 = tpu.memref_slice %arg5[%dma_wait3A_251, %dma_wait3A_252] : memref<256x128xf32, #tpu.memory_space<vmem_shared>> -> memref<256x128xf32, #tpu.memory_space<vmem_shared>>
      tpu.wait_indirect_dma semaphore(%arg19 : memref<!tpu.dma_semaphore, #tpu.memory_space<semaphore_mem>>) src(%dma_wait3A_253 : memref<256x128xf32, #tpu.memory_space<vmem_shared>>) dst(%arg11 : memref<104x128xf32, #tpu.memory_space<vmem>>)
      %mul3A_254 = arith.constant 104 : i32
      %mul3A_255 = arith.muli %add3A_247, %mul3A_254 : i32
      %add3A_256 = arith.addi %mul3A_2, %mul3A_255 : i32
      %dma_start3A_257 = arith.constant 0 : i32
      %dma_start3A_258 = tpu.memref_slice %arg4[%add3A_256, %dma_start3A_257] : memref<638976x128xf32, #tpu.memory_space<hbm>> -> memref<104x128xf32, #tpu.memory_space<hbm>>
      %dma_start3A_259 = arith.constant 0 : i32
      %dma_start3A_260 = tpu.memref_slice %arg4[%add3A_256, %dma_start3A_259] : memref<638976x128xf32, #tpu.memory_space<hbm>> -> memref<104x128xf32, #tpu.memory_space<hbm>>
      tpu.enqueue_dma source(%arg11 : memref<104x128xf32, #tpu.memory_space<vmem>>) target(%dma_start3A_260 : memref<104x128xf32, #tpu.memory_space<hbm>>) target_semaphore(%arg27 : memref<!tpu.dma_semaphore, #tpu.memory_space<semaphore_mem>>)
      %mul3A_261 = arith.constant 8 : i32
      %mul3A_262 = arith.muli %scan3A_57, %mul3A_261 : i32
      %add3A_263 = arith.constant 5 : i32
      %add3A_264 = arith.addi %mul3A_262, %add3A_263 : i32
      %dma_wait3A_265 = arith.constant 0 : i32
      %dma_wait3A_266 = tpu.memref_slice %arg6[%add3A_264, %dma_wait3A_265] : memref<128x104xi32, #tpu.memory_space<vmem>> -> memref<1x104xi32, #tpu.memory_space<vmem>>
      %dma_wait3A_267 = tpu.memref_squeeze %dma_wait3A_266 : memref<1x104xi32, #tpu.memory_space<vmem>> -> memref<104xi32, #tpu.memory_space<vmem>>
      %dma_wait3A_268 = arith.constant 0 : i32
      %dma_wait3A_269 = arith.constant 0 : i32
      %dma_wait3A_270 = tpu.memref_slice %arg5[%dma_wait3A_268, %dma_wait3A_269] : memref<256x128xf32, #tpu.memory_space<vmem_shared>> -> memref<256x128xf32, #tpu.memory_space<vmem_shared>>
      tpu.wait_indirect_dma semaphore(%arg20 : memref<!tpu.dma_semaphore, #tpu.memory_space<semaphore_mem>>) src(%dma_wait3A_270 : memref<256x128xf32, #tpu.memory_space<vmem_shared>>) dst(%arg12 : memref<104x128xf32, #tpu.memory_space<vmem>>)
      %mul3A_271 = arith.constant 104 : i32
      %mul3A_272 = arith.muli %add3A_264, %mul3A_271 : i32
      %add3A_273 = arith.addi %mul3A_2, %mul3A_272 : i32
      %dma_start3A_274 = arith.constant 0 : i32
      %dma_start3A_275 = tpu.memref_slice %arg4[%add3A_273, %dma_start3A_274] : memref<638976x128xf32, #tpu.memory_space<hbm>> -> memref<104x128xf32, #tpu.memory_space<hbm>>
      %dma_start3A_276 = arith.constant 0 : i32
      %dma_start3A_277 = tpu.memref_slice %arg4[%add3A_273, %dma_start3A_276] : memref<638976x128xf32, #tpu.memory_space<hbm>> -> memref<104x128xf32, #tpu.memory_space<hbm>>
      tpu.enqueue_dma source(%arg12 : memref<104x128xf32, #tpu.memory_space<vmem>>) target(%dma_start3A_277 : memref<104x128xf32, #tpu.memory_space<hbm>>) target_semaphore(%arg28 : memref<!tpu.dma_semaphore, #tpu.memory_space<semaphore_mem>>)
      %mul3A_278 = arith.constant 8 : i32
      %mul3A_279 = arith.muli %scan3A_57, %mul3A_278 : i32
      %add3A_280 = arith.constant 6 : i32
      %add3A_281 = arith.addi %mul3A_279, %add3A_280 : i32
      %dma_wait3A_282 = arith.constant 0 : i32
      %dma_wait3A_283 = tpu.memref_slice %arg6[%add3A_281, %dma_wait3A_282] : memref<128x104xi32, #tpu.memory_space<vmem>> -> memref<1x104xi32, #tpu.memory_space<vmem>>
      %dma_wait3A_284 = tpu.memref_squeeze %dma_wait3A_283 : memref<1x104xi32, #tpu.memory_space<vmem>> -> memref<104xi32, #tpu.memory_space<vmem>>
      %dma_wait3A_285 = arith.constant 0 : i32
      %dma_wait3A_286 = arith.constant 0 : i32
      %dma_wait3A_287 = tpu.memref_slice %arg5[%dma_wait3A_285, %dma_wait3A_286] : memref<256x128xf32, #tpu.memory_space<vmem_shared>> -> memref<256x128xf32, #tpu.memory_space<vmem_shared>>
      tpu.wait_indirect_dma semaphore(%arg21 : memref<!tpu.dma_semaphore, #tpu.memory_space<semaphore_mem>>) src(%dma_wait3A_287 : memref<256x128xf32, #tpu.memory_space<vmem_shared>>) dst(%arg13 : memref<104x128xf32, #tpu.memory_space<vmem>>)
      %mul3A_288 = arith.constant 104 : i32
      %mul3A_289 = arith.muli %add3A_281, %mul3A_288 : i32
      %add3A_290 = arith.addi %mul3A_2, %mul3A_289 : i32
      %dma_start3A_291 = arith.constant 0 : i32
      %dma_start3A_292 = tpu.memref_slice %arg4[%add3A_290, %dma_start3A_291] : memref<638976x128xf32, #tpu.memory_space<hbm>> -> memref<104x128xf32, #tpu.memory_space<hbm>>
      %dma_start3A_293 = arith.constant 0 : i32
      %dma_start3A_294 = tpu.memref_slice %arg4[%add3A_290, %dma_start3A_293] : memref<638976x128xf32, #tpu.memory_space<hbm>> -> memref<104x128xf32, #tpu.memory_space<hbm>>
      tpu.enqueue_dma source(%arg13 : memref<104x128xf32, #tpu.memory_space<vmem>>) target(%dma_start3A_294 : memref<104x128xf32, #tpu.memory_space<hbm>>) target_semaphore(%arg29 : memref<!tpu.dma_semaphore, #tpu.memory_space<semaphore_mem>>)
      %mul3A_295 = arith.constant 8 : i32
      %mul3A_296 = arith.muli %scan3A_57, %mul3A_295 : i32
      %add3A_297 = arith.constant 7 : i32
      %add3A_298 = arith.addi %mul3A_296, %add3A_297 : i32
      %dma_wait3A_299 = arith.constant 0 : i32
      %dma_wait3A_300 = tpu.memref_slice %arg6[%add3A_298, %dma_wait3A_299] : memref<128x104xi32, #tpu.memory_space<vmem>> -> memref<1x104xi32, #tpu.memory_space<vmem>>
      %dma_wait3A_301 = tpu.memref_squeeze %dma_wait3A_300 : memref<1x104xi32, #tpu.memory_space<vmem>> -> memref<104xi32, #tpu.memory_space<vmem>>
      %dma_wait3A_302 = arith.constant 0 : i32
      %dma_wait3A_303 = arith.constant 0 : i32
      %dma_wait3A_304 = tpu.memref_slice %arg5[%dma_wait3A_302, %dma_wait3A_303] : memref<256x128xf32, #tpu.memory_space<vmem_shared>> -> memref<256x128xf32, #tpu.memory_space<vmem_shared>>
      tpu.wait_indirect_dma semaphore(%arg22 : memref<!tpu.dma_semaphore, #tpu.memory_space<semaphore_mem>>) src(%dma_wait3A_304 : memref<256x128xf32, #tpu.memory_space<vmem_shared>>) dst(%arg14 : memref<104x128xf32, #tpu.memory_space<vmem>>)
      %mul3A_305 = arith.constant 104 : i32
      %mul3A_306 = arith.muli %add3A_298, %mul3A_305 : i32
      %add3A_307 = arith.addi %mul3A_2, %mul3A_306 : i32
      %dma_start3A_308 = arith.constant 0 : i32
      %dma_start3A_309 = tpu.memref_slice %arg4[%add3A_307, %dma_start3A_308] : memref<638976x128xf32, #tpu.memory_space<hbm>> -> memref<104x128xf32, #tpu.memory_space<hbm>>
      %dma_start3A_310 = arith.constant 0 : i32
      %dma_start3A_311 = tpu.memref_slice %arg4[%add3A_307, %dma_start3A_310] : memref<638976x128xf32, #tpu.memory_space<hbm>> -> memref<104x128xf32, #tpu.memory_space<hbm>>
      tpu.enqueue_dma source(%arg14 : memref<104x128xf32, #tpu.memory_space<vmem>>) target(%dma_start3A_311 : memref<104x128xf32, #tpu.memory_space<hbm>>) target_semaphore(%arg30 : memref<!tpu.dma_semaphore, #tpu.memory_space<semaphore_mem>>)
    }
    %scan3A_9 = arith.constant 16 : i32
    %add3A_10 = arith.constant 12480 : i32
    %add3A_11 = arith.addi %mul3A_2, %add3A_10 : i32
    %dma_wait3A = arith.constant 0 : i32
    %dma_wait3A_12 = tpu.memref_slice %arg4[%add3A_11, %dma_wait3A] : memref<638976x128xf32, #tpu.memory_space<hbm>> -> memref<104x128xf32, #tpu.memory_space<hbm>>
    %dma_wait3A_13 = arith.constant 0 : i32
    %dma_wait3A_14 = tpu.memref_slice %arg4[%add3A_11, %dma_wait3A_13] : memref<638976x128xf32, #tpu.memory_space<hbm>> -> memref<104x128xf32, #tpu.memory_space<hbm>>
    tpu.wait_dma2 semaphore(%arg23 : memref<!tpu.dma_semaphore, #tpu.memory_space<semaphore_mem>>) src(%arg7 : memref<104x128xf32, #tpu.memory_space<vmem>>) dst(%dma_wait3A_14 : memref<104x128xf32, #tpu.memory_space<hbm>>)
    %add3A_15 = arith.constant 12584 : i32
    %add3A_16 = arith.addi %mul3A_2, %add3A_15 : i32
    %dma_wait3A_17 = arith.constant 0 : i32
    %dma_wait3A_18 = tpu.memref_slice %arg4[%add3A_16, %dma_wait3A_17] : memref<638976x128xf32, #tpu.memory_space<hbm>> -> memref<104x128xf32, #tpu.memory_space<hbm>>
    %dma_wait3A_19 = arith.constant 0 : i32
    %dma_wait3A_20 = tpu.memref_slice %arg4[%add3A_16, %dma_wait3A_19] : memref<638976x128xf32, #tpu.memory_space<hbm>> -> memref<104x128xf32, #tpu.memory_space<hbm>>
    tpu.wait_dma2 semaphore(%arg24 : memref<!tpu.dma_semaphore, #tpu.memory_space<semaphore_mem>>) src(%arg8 : memref<104x128xf32, #tpu.memory_space<vmem>>) dst(%dma_wait3A_20 : memref<104x128xf32, #tpu.memory_space<hbm>>)
    %add3A_21 = arith.constant 12688 : i32
    %add3A_22 = arith.addi %mul3A_2, %add3A_21 : i32
    %dma_wait3A_23 = arith.constant 0 : i32
    %dma_wait3A_24 = tpu.memref_slice %arg4[%add3A_22, %dma_wait3A_23] : memref<638976x128xf32, #tpu.memory_space<hbm>> -> memref<104x128xf32, #tpu.memory_space<hbm>>
    %dma_wait3A_25 = arith.constant 0 : i32
    %dma_wait3A_26 = tpu.memref_slice %arg4[%add3A_22, %dma_wait3A_25] : memref<638976x128xf32, #tpu.memory_space<hbm>> -> memref<104x128xf32, #tpu.memory_space<hbm>>
    tpu.wait_dma2 semaphore(%arg25 : memref<!tpu.dma_semaphore, #tpu.memory_space<semaphore_mem>>) src(%arg9 : memref<104x128xf32, #tpu.memory_space<vmem>>) dst(%dma_wait3A_26 : memref<104x128xf32, #tpu.memory_space<hbm>>)
    %add3A_27 = arith.constant 12792 : i32
    %add3A_28 = arith.addi %mul3A_2, %add3A_27 : i32
    %dma_wait3A_29 = arith.constant 0 : i32
    %dma_wait3A_30 = tpu.memref_slice %arg4[%add3A_28, %dma_wait3A_29] : memref<638976x128xf32, #tpu.memory_space<hbm>> -> memref<104x128xf32, #tpu.memory_space<hbm>>
    %dma_wait3A_31 = arith.constant 0 : i32
    %dma_wait3A_32 = tpu.memref_slice %arg4[%add3A_28, %dma_wait3A_31] : memref<638976x128xf32, #tpu.memory_space<hbm>> -> memref<104x128xf32, #tpu.memory_space<hbm>>
    tpu.wait_dma2 semaphore(%arg26 : memref<!tpu.dma_semaphore, #tpu.memory_space<semaphore_mem>>) src(%arg10 : memref<104x128xf32, #tpu.memory_space<vmem>>) dst(%dma_wait3A_32 : memref<104x128xf32, #tpu.memory_space<hbm>>)
    %add3A_33 = arith.constant 12896 : i32
    %add3A_34 = arith.addi %mul3A_2, %add3A_33 : i32
    %dma_wait3A_35 = arith.constant 0 : i32
    %dma_wait3A_36 = tpu.memref_slice %arg4[%add3A_34, %dma_wait3A_35] : memref<638976x128xf32, #tpu.memory_space<hbm>> -> memref<104x128xf32, #tpu.memory_space<hbm>>
    %dma_wait3A_37 = arith.constant 0 : i32
    %dma_wait3A_38 = tpu.memref_slice %arg4[%add3A_34, %dma_wait3A_37] : memref<638976x128xf32, #tpu.memory_space<hbm>> -> memref<104x128xf32, #tpu.memory_space<hbm>>
    tpu.wait_dma2 semaphore(%arg27 : memref<!tpu.dma_semaphore, #tpu.memory_space<semaphore_mem>>) src(%arg11 : memref<104x128xf32, #tpu.memory_space<vmem>>) dst(%dma_wait3A_38 : memref<104x128xf32, #tpu.memory_space<hbm>>)
    %add3A_39 = arith.constant 13000 : i32
    %add3A_40 = arith.addi %mul3A_2, %add3A_39 : i32
    %dma_wait3A_41 = arith.constant 0 : i32
    %dma_wait3A_42 = tpu.memref_slice %arg4[%add3A_40, %dma_wait3A_41] : memref<638976x128xf32, #tpu.memory_space<hbm>> -> memref<104x128xf32, #tpu.memory_space<hbm>>
    %dma_wait3A_43 = arith.constant 0 : i32
    %dma_wait3A_44 = tpu.memref_slice %arg4[%add3A_40, %dma_wait3A_43] : memref<638976x128xf32, #tpu.memory_space<hbm>> -> memref<104x128xf32, #tpu.memory_space<hbm>>
    tpu.wait_dma2 semaphore(%arg28 : memref<!tpu.dma_semaphore, #tpu.memory_space<semaphore_mem>>) src(%arg12 : memref<104x128xf32, #tpu.memory_space<vmem>>) dst(%dma_wait3A_44 : memref<104x128xf32, #tpu.memory_space<hbm>>)
    %add3A_45 = arith.constant 13104 : i32
    %add3A_46 = arith.addi %mul3A_2, %add3A_45 : i32
    %dma_wait3A_47 = arith.constant 0 : i32
    %dma_wait3A_48 = tpu.memref_slice %arg4[%add3A_46, %dma_wait3A_47] : memref<638976x128xf32, #tpu.memory_space<hbm>> -> memref<104x128xf32, #tpu.memory_space<hbm>>
    %dma_wait3A_49 = arith.constant 0 : i32
    %dma_wait3A_50 = tpu.memref_slice %arg4[%add3A_46, %dma_wait3A_49] : memref<638976x128xf32, #tpu.memory_space<hbm>> -> memref<104x128xf32, #tpu.memory_space<hbm>>
    tpu.wait_dma2 semaphore(%arg29 : memref<!tpu.dma_semaphore, #tpu.memory_space<semaphore_mem>>) src(%arg13 : memref<104x128xf32, #tpu.memory_space<vmem>>) dst(%dma_wait3A_50 : memref<104x128xf32, #tpu.memory_space<hbm>>)
    %add3A_51 = arith.constant 13208 : i32
    %add3A_52 = arith.addi %mul3A_2, %add3A_51 : i32
    %dma_wait3A_53 = arith.constant 0 : i32
    %dma_wait3A_54 = tpu.memref_slice %arg4[%add3A_52, %dma_wait3A_53] : memref<638976x128xf32, #tpu.memory_space<hbm>> -> memref<104x128xf32, #tpu.memory_space<hbm>>
    %dma_wait3A_55 = arith.constant 0 : i32
    %dma_wait3A_56 = tpu.memref_slice %arg4[%add3A_52, %dma_wait3A_55] : memref<638976x128xf32, #tpu.memory_space<hbm>> -> memref<104x128xf32, #tpu.memory_space<hbm>>
    tpu.wait_dma2 semaphore(%arg30 : memref<!tpu.dma_semaphore, #tpu.memory_space<semaphore_mem>>) src(%arg14 : memref<104x128xf32, #tpu.memory_space<vmem>>) dst(%dma_wait3A_56 : memref<104x128xf32, #tpu.memory_space<hbm>>)
    return
  }
}

module attributes {stable_mosaic.version = 14 : i64} {
  func.func @_numfill_body(%arg0: i32, %arg1: memref<638976x128xf32, #tpu.memory_space<any>>, %arg2: memref<13x16384xf32, #tpu.memory_space<vmem>>, %arg3: memref<1x128xf32, #tpu.memory_space<vmem>>, %arg4: memref<1x128xf32, #tpu.memory_space<vmem>>, %arg5: memref<16384x128xf32, #tpu.memory_space<vmem>>) attributes {dimension_semantics = [#tpu.dimension_semantics<arbitrary>], iteration_bounds = array<i64: 13>, scalar_prefetch = 0 : i64, scratch_operands = 0 : i64, tpu.core_type = #tpu.core_type<tc>, window_params = [{}, {pipeline_mode = #tpu.pipeline_mode<synchronous>, transform_indices = @transform_1, window_bounds = array<i64: 13, 16384>}, {pipeline_mode = #tpu.pipeline_mode<synchronous>, transform_indices = @transform_2, window_bounds = array<i64: 1, 128>}, {pipeline_mode = #tpu.pipeline_mode<synchronous>, transform_indices = @transform_3, window_bounds = array<i64: 1, 128>}, {transform_indices = @transform_4, window_bounds = array<i64: 16384, 128>}]} {
    %get3A = arith.index_cast %arg0 : i32 to index
    %get3A_0 = arith.constant 0 : index
    %get3A_1 = vector.load %arg2[%get3A, %get3A_0] : memref<13x16384xf32, #tpu.memory_space<vmem>>, vector<1x16384xf32>
    %get3A_2 = vector.shape_cast %get3A_1 : vector<1x16384xf32> to vector<16384xf32>
    %get3A_3 = arith.constant 0 : index
    %get3A_4 = arith.constant 0 : index
    %get3A_5 = vector.load %arg3[%get3A_3, %get3A_4] : memref<1x128xf32, #tpu.memory_space<vmem>>, vector<1x128xf32>
    %get3A_6 = vector.shape_cast %get3A_5 : vector<1x128xf32> to vector<128xf32>
    %get3A_7 = arith.constant 0 : index
    %get3A_8 = arith.constant 0 : index
    %get3A_9 = vector.load %arg4[%get3A_7, %get3A_8] : memref<1x128xf32, #tpu.memory_space<vmem>>, vector<1x128xf32>
    %get3A_10 = vector.shape_cast %get3A_9 : vector<1x128xf32> to vector<128xf32>
    %broadcast_in_dim3A = vector.shape_cast %get3A_2 : vector<16384xf32> to vector<16384x1xf32>
    %broadcast_in_dim3A_11 = vector.shape_cast %get3A_6 : vector<128xf32> to vector<1x128xf32>
    %mul3A = vector.broadcast %broadcast_in_dim3A : vector<16384x1xf32> to vector<16384x128xf32>
    %mul3A_12 = vector.broadcast %broadcast_in_dim3A_11 : vector<1x128xf32> to vector<16384x128xf32>
    %mul3A_13 = arith.mulf %mul3A, %mul3A_12 : vector<16384x128xf32>
    %broadcast_in_dim3A_14 = vector.shape_cast %get3A_10 : vector<128xf32> to vector<1x128xf32>
    %add3A = vector.broadcast %broadcast_in_dim3A_14 : vector<1x128xf32> to vector<16384x128xf32>
    %add3A_15 = arith.addf %mul3A_13, %add3A : vector<16384x128xf32>
    %max3A = arith.constant 0.000000e+00 : f32
    %max3A_16 = vector.broadcast %max3A : f32 to vector<16384x128xf32>
    %max3A_17 = arith.maximumf %add3A_15, %max3A_16 : vector<16384x128xf32>
    %swap3A = arith.constant 0 : index
    %swap3A_18 = arith.constant 0 : index
    %swap3A_19 = vector.load %arg5[%swap3A, %swap3A_18] : memref<16384x128xf32, #tpu.memory_space<vmem>>, vector<16384x128xf32>
    tpu.vector_store %arg5[%swap3A, %swap3A_18], %max3A_17 {strides = array<i32>} : memref<16384x128xf32, #tpu.memory_space<vmem>>, vector<16384x128xf32>,
    return
  }
  func.func @transform_1(%arg0: i32) -> (i32, i32) {
    %c0_i32 = arith.constant 0 : i32
    %c0_i32_0 = arith.constant 0 : i32
    %c0_i32_1 = arith.constant 0 : i32
    return %c0_i32, %c0_i32_0 : i32, i32
  }
  func.func @transform_2(%arg0: i32) -> (i32, i32) {
    %c0_i32 = arith.constant 0 : i32
    %c0_i32_0 = arith.constant 0 : i32
    %c0_i32_1 = arith.constant 0 : i32
    return %c0_i32, %c0_i32_0 : i32, i32
  }
  func.func @transform_3(%arg0: i32) -> (i32, i32) {
    %c0_i32 = arith.constant 0 : i32
    %c0_i32_0 = arith.constant 0 : i32
    %c0_i32_1 = arith.constant 0 : i32
    return %c0_i32, %c0_i32_0 : i32, i32
  }
  func.func @transform_4(%arg0: i32) -> (i32, i32) {
    %add3A = arith.constant 26 : i32
    %add3A_0 = arith.addi %arg0, %add3A : i32
    %c0_i32 = arith.constant 0 : i32
    %c0_i32_1 = arith.constant 0 : i32
    return %add3A_0, %c0_i32 : i32, i32
  }
}

</mosaic_0001>

<sc_bundles>
// kernel: kernel.4.cloned.1.call-start
scs
__scs_entry_jumppad:
0x0: {  	(pc) =	sbr.rel $0x88, $3  }
0x1: {  	(tag) =	ssettag $0x0;
	lr =	simm.s32 $0x1  }
0x2: {  	[smem:$0x3F9D] =	sst lr;
	_ =	strace $0xD0000000  }
0x3: {  	_ = 	snop  }
0x4: {  	_ = 	snop  }
0x5: {  	_ = 	snop  }
0x6: {  	_ = 	snop  }
0x7: {  	_ = 	snop  }
__scs_overlays_trampoline_lowered:
0x8: {  	[smem:$0x3FAC] =	sst s0  }
0x9: {  	[smem:$0x3FAD] =	sst s1  }
0xa: {  	[smem:$0x3FAE] =	sst s2  }
0xb: {  	[smem:$0x3FAF] =	sst s3  }
0xc: {  	[smem:$0x3FB0] =	sst s4  }
0xd: {  	[smem:$0x3FB1] =	sst s5  }
0xe: {  	[smem:$0x3FB2] =	sst s6  }
0xf: {  	[smem:$0x3FB3] =	sst s7  }
0x10: {  	[smem:$0x3FB4] =	sst s8  }
0x11: {  	[smem:$0x3FB5] =	sst s9;
	s0 =	simm.s32 @!p0 $0x0  }
0x12: {  	s1 =	sld [smem:$0x3F9B];
	s0 =	simm.s32 @p0 $0x1  }
0x13: {  	[smem:$0x3FB6] =	sst s0;
	s0 =	simm.s32 @!p1 $0x0  }
0x14: {  	s2 =	sld [smem:$0x3F9A];
	s0 =	simm.s32 @p1 $0x1  }
0x15: {  	[smem:$0x3FB7] =	sst s0;
	s0 =	simm.s32 @!p2 $0x0  }
0x16: {  	s3 =	sld [smem:$0x3FDB];
	s0 =	simm.s32 @p2 $0x1  }
0x17: {  	s4 =	simm.s32 $0x1BF5;
	[smem:$0x3FB9] =	sst s0  }
0x18: {  	s0 =	sld [smem:$0x3F9C];
	_ =	swait.ge [sflag:s4], $0x0  }
0x19: {  	s7 =	sld [smem:$0x3F9D]  }
0x1a: {  	s8 =	sadd.s32 $0xFFFFE003, lr  }
0x1b: {  	s9 =	sadd.s32 $0xFFFFFEF7, lr;
	s5 =	simm.s32 $0xFFFFFFFF;
	p2 =	slt.u32 s8, $0xFFFFF086  }
0x1c: {  	p1 =	slt.u32 s9, $0xF7A;
	s5 =	simm.s32 @!p2 $0x0  }
0x1d: {  	s5 =	simm.s32 @p1 $0x1;
	p0 =	seq.s32 s7, s2  }
0x1e: {  	s7 =	smul.u32 @!p0 $0xF7A, s2;
	p2 =	seq.s32 @!p0 s5, $0x0  }
0x1f: {  	s9 =	smul.u32 $0xF7A, s1;
	s8 =	simm.s32 @!p0 $0x1BF5;
	p2 =	por !p2, p0  }
0x20: {  	[sflag:s8] =	ssyncset.s32 @!p0 $0xFFFFF086;
	s6 =	sadd.s32 @!p0 s3, s7;
	s7 =	simm.s32 @!p0 $0x108  }
0x21: {  	s3 =	sadd.s32 s3, s9;
	s6 =	sadd.s32 @!p0 $0x88, s6;
	s7 =	simm.s32 @p2 $0x1082  }
0x22: {  	[simem:s7], [sflag:s8] =	dma.local @!p0 [hbm:s6], $0xF7A  }
0x23: {  	s9 =	sor.u32 $0xD0000000, s2;
	s6 =	simm.s32 $0x108;
	_ =	swait.ge @!p0 [sflag:s8], $0x0  }
0x24: {  	s3 =	sadd.s32 $0x88, s3;
	s6 =	simm.s32 @!p1 $0x1082;
	[sflag:s4] =	ssyncset.s32 $0xFFFFF086  }
0x25: {  	[simem:s6], [sflag:s4] =	dma.local [hbm:s3], $0xF7A  }
0x26: {  	[smem:$0x3F9D] =	sst s1;
	(tag) =	ssettag s2;
	_ =	strace s9  }
0x27: {  	s1 =	sld [smem:$0x3FAD]  }
0x28: {  	s2 =	sld [smem:$0x3FAE]  }
0x29: {  	s4 =	sld [smem:$0x3FB0]  }
0x2a: {  	p0 =	seq.s32 s5, $0x0;
	s5 =	sld [smem:$0x3FB1]  }
0x2b: {  	s6 =	sld [smem:$0x3FB2]  }
0x2c: {  	s7 =	sld [smem:$0x3FB3]  }
0x2d: {  	s3 =	simm.s32 $0x108;
	s8 =	sld [smem:$0x3FB4]  }
0x2e: {  	s3 =	simm.s32 @!p0 $0x1082;
	s9 =	sld [smem:$0x3FB5]  }
0x2f: {  	lr =	sadd.s32 s0, s3;
	s0 =	sld [smem:$0x3FAC]  }
0x30: {  	s3 =	sld [smem:$0x3FAF]  }
0x31: {  	[smem:$0x3FB8] =	sst s10  }
0x32: {  	s10 =	sld [smem:$0x3FB6];
	_ =	sdelay $0x3  }
0x33: {  	p0 =	seq.s32 s10, $0x1;
	s10 =	sld [smem:$0x3FB8];
	_ =	sdelay $0x3  }
0x34: {  	[smem:$0x3FB8] =	sst s10  }
0x35: {  	s10 =	sld [smem:$0x3FB7];
	_ =	sdelay $0x3  }
0x36: {  	p1 =	seq.s32 s10, $0x1;
	s10 =	sld [smem:$0x3FB8];
	_ =	sdelay $0x3  }
0x37: {  	[smem:$0x3FB8] =	sst s10  }
0x38: {  	s10 =	sld [smem:$0x3FB9]  }
0x39: {  	_ = 	snop;
	(pc) =	sbr.ind lr, $3  }
0x3a: {  	_ = 	snop  }
0x3b: {  	_ = 	snop  }
0x3c: {  	p2 =	seq.s32 s10, $0x1;
	s10 =	sld [smem:$0x3FB8]  }
0x3d: {  	_ =	shalt  }
0x3e: {  	_ =	shalt  }
0x3f: {  	_ =	shalt  }
0x40: {  	_ =	shalt  }
0x41: {  	_ =	shalt  }
0x42: {  	_ =	shalt  }
0x43: {  	_ =	shalt  }
0x44: {  	_ =	shalt  }
0x45: {  	_ =	shalt  }
0x46: {  	_ =	shalt  }
0x47: {  	_ =	shalt  }
0x48: {  	_ =	shalt  }
0x49: {  	_ =	shalt  }
0x4a: {  	_ =	shalt  }
0x4b: {  	_ =	shalt  }
0x4c: {  	_ =	shalt  }
0x4d: {  	_ =	shalt  }
0x4e: {  	_ =	shalt  }
0x4f: {  	_ =	shalt  }
0x50: {  	_ =	shalt  }
0x51: {  	_ =	shalt  }
0x52: {  	_ =	shalt  }
0x53: {  	_ =	shalt  }
0x54: {  	_ =	shalt  }
0x55: {  	_ =	shalt  }
0x56: {  	_ =	shalt  }
0x57: {  	_ =	shalt  }
0x58: {  	_ =	shalt  }
0x59: {  	_ =	shalt  }
0x5a: {  	_ =	shalt  }
0x5b: {  	_ =	shalt  }
0x5c: {  	_ =	shalt  }
0x5d: {  	_ =	shalt  }
0x5e: {  	_ =	shalt  }
0x5f: {  	_ =	shalt  }
0x60: {  	_ =	shalt  }
0x61: {  	_ =	shalt  }
0x62: {  	_ =	shalt  }
0x63: {  	_ =	shalt  }
0x64: {  	_ =	shalt  }
0x65: {  	_ =	shalt  }
0x66: {  	_ =	shalt  }
0x67: {  	_ =	shalt  }
0x68: {  	_ =	shalt  }
0x69: {  	_ =	shalt  }
0x6a: {  	_ =	shalt  }
0x6b: {  	_ =	shalt  }
0x6c: {  	_ =	shalt  }
0x6d: {  	_ =	shalt  }
0x6e: {  	_ =	shalt  }
0x6f: {  	_ =	shalt  }
0x70: {  	_ =	shalt  }
0x71: {  	_ =	shalt  }
0x72: {  	_ =	shalt  }
0x73: {  	_ =	shalt  }
0x74: {  	_ =	shalt  }
0x75: {  	_ =	shalt  }
0x76: {  	_ =	shalt  }
0x77: {  	_ =	shalt  }
0x78: {  	_ =	shalt  }
0x79: {  	_ =	shalt  }
0x7a: {  	_ =	shalt  }
0x7b: {  	_ =	shalt  }
0x7c: {  	_ =	shalt  }
0x7d: {  	_ =	shalt  }
0x7e: {  	_ =	shalt  }
0x7f: {  	_ =	shalt  }
0x80: {  	_ =	shalt  }
0x81: {  	_ =	shalt  }
0x82: {  	_ =	shalt  }
0x83: {  	_ =	shalt  }
0x84: {  	_ =	shalt  }
0x85: {  	_ =	shalt  }
0x86: {  	_ =	shalt  }
0x87: {  	_ =	shalt  }
.Lfunc_end0:
.L_simem_size_0:
called_computation_lowered:
.L_overlay_start_0:
0x88: {  	s2 =	sld [smem:$0x3FD9]  }
0x89: {  	s3 =	sld [smem:$0x3FFE];
	_ =	sdelay $0x1  }
0x8a: {  	s1 =	srdreg.scid  }
0x8b: {  	s0 =	sand.u32 $0x1, s1  }
0x8c: {  	s17 =	sshll.u32 s0, $0xA;
	s2 =	sadd.s32 s3, s2  }
0x8d: {  	s2 =	sadd.s32 s2, s17  }
0x8e: {  	[smem:$0x3FC4] =	sst s2  }
0x8f: {  	_ = 	snop  }
0x90: {  	s2 =	sld [smem:$0x3FC8]  }
0x91: {  	s18 =	sld [smem:$0x3FD0];
	(tm) =	ssettm $0x1  }
0x92: {  	s4 =	sld [smem:$0x3FFB];
	_ =	sdelay $0x3  }
0x93: {  	_ =	strace s4  }
0x94: {  	s4 =	sld [smem:$0x3FFC];
	_ =	sdelay $0x3  }
0x95: {  	_ =	strace s4  }
0x96: {  	s4 =	sld [smem:$0x3FFD];
	_ =	sdelay $0x3  }
0x97: {  	_ =	strace s4  }
0x98: {  	_ =	strace $0x8FFFFFFF  }
0x99: {  	s19 =	sld [smem:$0x3FDB];
	_ =	sdelay $0x1  }
0x9a: {  	s5 =	simm.s32 $_scs_section_size  }
0x9b: {  	s6 =	simm.s32 $_size__tile_overlayer_lowered;
	s7 =	simm.s32 $_tile_overlayer_lowered  }
0x9c: {  	s22 =	simm.s32 $0x1BFF;
	s21 =	sshll.u32 s7, $0x1;
	s4 =	sadd.s32 s5, s19  }
0x9d: {  	s8 =	simm.s32 $0x0;
	s20 =	sshll.u32 s6, $0x1;
	s6 =	sadd.s32 s21, s4  }
0x9e: {  	[timem:s8], [sflag:s22] =	dma.local [hbm:s6], s20  }
0x9f: {  	_ =	swait.ge [sflag:s22], s20  }
0xa0: {  	s5 =	ssub.s32 $0x0, s20;
	[sflag:s22] =	ssyncset.done $0x0  }
0xa1: {  	[sflag:s22] =	ssyncadd.s32 s5;
	_ =	sdelay $0x1  }
0xa2: {  	s23 =	simm.s32 $0x1B8B  }
0xa3: {  	_ =	swait.ge [sflag:s23], $0x1  }
0xa4: {  	[sflag:s23] =	ssyncset.done $0x0  }
0xa5: {  	s25 =	simm.s32 $0x1B8E;
	s24 =	sld [smem:$0x3FFE];
	[sflag:s23] =	ssyncadd.s32 $0xFFFFFFFF  }
0xa6: {  	s26 =	simm.s32 $execute0_lowered;
	[smem:$0x3FD2] =	sst s25  }
0xa7: {  	s6 =	sshll.u32 s26, $0x1;
	_ =	strace $0x80000046;
	[dreg:$0x1] =	wrdreg $0xFFFFFFFF  }
0xa8: {  	s28 =	simm.s32 $_size_execute0_lowered;
	s4 =	sadd.s32 s4, s6;
	[dreg:$0x0] =	wrdreg $0x0  }
0xa9: {  	s6 =	sshll.u32 s28, $0x1;
	[dreg:$0x2] =	wrdreg s4  }
0xaa: {  	[dreg:$0x3] =	wrdreg s6  }
0xab: {  	[dreg:$0x4] =	wrdreg $0xC0  }
0xac: {  	_ =	task [dreg:s8], $0x5FFFF  }
0xad: {  	[dreg:$0x1] =	wrdreg $0xFFFFFFFF  }
0xae: {  	[dreg:$0x0] =	wrdreg $0x60  }
0xaf: {  	[dreg:$0x2] =	wrdreg s2  }
0xb0: {  	[dreg:$0x3] =	wrdreg s24  }
0xb1: {  	[dreg:$0x4] =	wrdreg s18  }
0xb2: {  	[dreg:$0x5] =	wrdreg $0x0  }
0xb3: {  	[dreg:$0x6] =	wrdreg $0x9  }
0xb4: {  	_ =	task.clear_ibuf [dreg:s8], $0x7FFFF;
	_ =	strace $0x90000046  }
0xb5: {  	s29 =	simm.s32 $0x9;
	_ =	strace $0x80000048  }
0xb6: {  	_ =	swait.ge [sflag:s29], $0x1  }
0xb7: {  	[sflag:s29] =	ssyncadd.s32 $0xFFFFFFFF  }
0xb8: {  	_ =	strace $0x90000048  }
0xb9: {  	_ =	sfence  }
0xba: {  	s30 =	sld [smem:$0x0];
	_ =	sdelay $0x2  }
0xbb: {  	s31 =	sshll.u32 s1, $0xD;
	s1 =	sshrl.u32 s1, $0x2  }
0xbc: {  	s3 =	sand.u32 $0x4000, s31;
	s1 =	sadd.s32 s1, s30  }
0xbd: {  	s0 =	sor.u32 s3, s0;
	s1 =	sshll.u32 s1, $0x11  }
0xbe: {  	s0 =	sor.u32 s1, s0  }
0xbf: {  	s0 =	sadd.s32 $0x8F2B, s0  }
0xc0: {  	[sflag:s0] =	ssyncadd.remote.s32 $0x1  }
0xc1: {  	_ =	sfence.sel $0xFFFF  }
0xc2: {  	[dreg:$0x0] =	wrdreg $0xFFFFFFFF;
	(pc) =	sbr.abs _section_cstart, $3  }
0xc3: {  	[dreg:$0x1] =	wrdreg $0xFFFFFFFF  }
0xc4: {  	_ =	task.clear_ibuf [dreg:s8], $0x2FFFF;
	_ =	strace $0x9FFFFFFF  }
0xc5: {  	(tm) =	ssettm $0x7FFFFFFF  }
tec
execute0_lowered:
.L_overlay_start_1:
0x0: {  	(tag) =	ssettag $0x1  }
0x1: {  	s0 =	rddreg [dreg:$0x1]  }
0x2: {  	s2 =	rddreg [dreg:$0x2]  }
0x3: {  	s3 =	rddreg [dreg:$0x3];
	s1 =	srdreg.scid  }
0x4: {  	s6 =	stileid.u32;
	s4 =	simm.s32 $0x0;
	s23 =	simm.s32 $0x68  }
0x5: {  	s24 =	simm.s32 $0x4800;
	s25 =	simm.s32 $0x7C00;
	s14 =	simm.s32 $0x2  }
0x6: {  	s26 =	simm.s32 $0xB000;
	s15 =	simm.s32 $0x3;
	s28 =	simm.s32 $0xE400  }
0x7: {  	s16 =	simm.s32 $0x4;
	s29 =	simm.s32 $0x11800;
	s17 =	simm.s32 $0x5  }
0x8: {  	s30 =	simm.s32 $0x14C00;
	s18 =	simm.s32 $0x6;
	[smem:$0x7FF] =	sst s4  }
0x9: {  	s31 =	simm.s32 $0x18000;
	_ =	strace $0x80000047;
	[dreg:$0x5] =	wrdreg s23  }
0xa: {  	s19 =	simm.s32 $0x7;
	s13 =	simm.s32 $0x1B400;
	[dreg:$0x6] =	wrdreg s24  }
0xb: {  	s1 =	sand.u32 $0x1, s1;
	s5 =	sshll.u32 s6, $0x1;
	[dreg:$0x7] =	wrdreg s25  }
0xc: {  	s10 =	smul.u32 $0x68000, s6;
	s7 =	sor.u32 s1, s5;
	[dreg:$0x8] =	wrdreg s26  }
0xd: {  	s8 =	ssub.s32 $0x2, s1;
	s1 =	smul.u32 $0x34000, s1;
	[dreg:$0x9] =	wrdreg s28  }
0xe: {  	[dreg:$0xa] =	wrdreg s29;
	s5 =	smul.u32 $0x3400, s7;
	s7 =	sshll.u32 s7, $0xB  }
0xf: {  	[dreg:$0xb] =	wrdreg s30;
	s9 =	sshrl.u32 s8, $0x1;
	s0 =	sadd.s32 s7, s0  }
0x10: {  	[dreg:$0xc] =	wrdreg s31;
	s20 =	ssub.s32 s8, s9;
	s0 =	sadd.s32 $0x800, s0  }
0x11: {  	s22 =	sadd.s32 s10, s2;
	s21 =	smax.u32 s20, $0x1;
	[dreg:$0xd] =	wrdreg s0  }
0x12: {  	p0 =	sne.s32 s6, $0x0;
	[dreg:$0xe] =	wrdreg s21;
	s0 =	sadd.s32 s1, s22  }
0x13: {  	s6 =	simm.s32 $0x0;
	[dreg:$0xf] =	wrdreg s0;
	s0 =	sshrl.u32 @!p0 s3, $0x3  }
0x14: {  	s8 =	simm.s32 $0x1B400;
	s20 =	simm.s32 $0x8;
	[dreg:$0x10] =	wrdreg s0  }
.LBB2_1:
0x15: {  	[dreg:$0x11] =	wrdreg s6  }
0x16: {  	s0 =	rddreg [dreg:$0xd];
	s1 =	simm.s32 $0x800;
	s26 =	simm.s32 $0x11  }
0x17: {  	[tilespmem:s1], [sflag:$0x11] =	stream.linear.gather [hbm4b:s0+s4], $0x4000, $0x38;
	[tilespmem:$0x1E800] =	vst v63  }
0x18: {  	_ =	swait.ge [sflag:s26], $0x4000  }
0x19: {  	[sflag:s26] =	ssyncset.done $0x0  }
0x1a: {  	s6 =	rddreg [dreg:$0x10];
	[sflag:s26] =	ssyncadd.s32 $0xFFFFC000  }
0x1b: {  	s0 =	simm.s32 @!p0 $0x1C11;
	s1 =	rddreg [dreg:$0x0]  }
0x1c: {  	[spmem:s6], [sflag:s0] =	dma.local @!p0 [hbm:s1], $0x1000  }
0x1d: {  	s0 =	simm.s32 @!p0 $0x11  }
0x1e: {  	_ =	swait.ge @!p0 [sflag:s0], $0x1000  }
0x1f: {  	[sflag:s0] =	ssyncset.done @!p0 $0x0  }
0x20: {  	p1 =	por $0x0, $0x0;
	[sflag:s0] =	ssyncadd.s32 @!p0 $0xFFFFF000  }
0x21: {  	s0 =	simm.s32 @p1 $0x9;
	[bflag:$0x0] =	sbarrier.arrive $0xFFFF  }
0x22: {  	_ =	swait.ge @p1 [sflag:s0], $0x3400  }
0x23: {  	s7 =	simm.s32 @p1 $0xA;
	s1 =	simm.s32 @p1 $0x800;
	[sflag:s0] =	ssyncset.done @p1 $0x0  }
0x24: {  	s6 =	simm.s32 @p1 $0x68;
	[sflag:s0] =	ssyncadd.s32 @p1 $0xFFFFCC00;
	s0 =	simm.s32 @p1 $0x4800  }
0x25: {  	[tilespmem:s0], [sflag:$0x1] =	stream.indirect.gather @p1 [spmem:s3], $0x80, s1, s6, $0xb8;
	[tilespmem:$0x1E800] =	vst v63  }
0x26: {  	_ =	swait.ge @p1 [sflag:s7], $0x3400  }
0x27: {  	s9 =	simm.s32 @p1 $0xB;
	[sflag:s7] =	ssyncset.done @p1 $0x0  }
0x28: {  	s0 =	simm.s32 @p1 $0x880;
	s1 =	simm.s32 @p1 $0x7C00;
	[sflag:s7] =	ssyncadd.s32 @p1 $0xFFFFCC00  }
0x29: {  	[tilespmem:s1], [sflag:$0x2] =	stream.indirect.gather @p1 [spmem:s3], $0x80, s0, s6, $0xb8;
	[tilespmem:$0x1E800] =	vst v63  }
0x2a: {  	_ =	swait.ge @p1 [sflag:s9], $0x3400  }
0x2b: {  	s7 =	simm.s32 @p1 $0xC;
	[sflag:s9] =	ssyncset.done @p1 $0x0  }
0x2c: {  	s0 =	simm.s32 @p1 $0x900;
	s1 =	simm.s32 @p1 $0xB000;
	[sflag:s9] =	ssyncadd.s32 @p1 $0xFFFFCC00  }
0x2d: {  	[tilespmem:s1], [sflag:$0x3] =	stream.indirect.gather @p1 [spmem:s3], $0x80, s0, s6, $0xb8;
	[tilespmem:$0x1E800] =	vst v63  }
0x2e: {  	_ =	swait.ge @p1 [sflag:s7], $0x3400  }
0x2f: {  	s9 =	simm.s32 @p1 $0xD;
	[sflag:s7] =	ssyncset.done @p1 $0x0  }
0x30: {  	s0 =	simm.s32 @p1 $0x980;
	s1 =	simm.s32 @p1 $0xE400;
	[sflag:s7] =	ssyncadd.s32 @p1 $0xFFFFCC00  }
0x31: {  	[tilespmem:s1], [sflag:$0x4] =	stream.indirect.gather @p1 [spmem:s3], $0x80, s0, s6, $0xb8;
	[tilespmem:$0x1E800] =	vst v63  }
0x32: {  	_ =	swait.ge @p1 [sflag:s9], $0x3400  }
0x33: {  	s7 =	simm.s32 @p1 $0xE;
	[sflag:s9] =	ssyncset.done @p1 $0x0  }
0x34: {  	s0 =	simm.s32 @p1 $0xA00;
	s1 =	simm.s32 @p1 $0x11800;
	[sflag:s9] =	ssyncadd.s32 @p1 $0xFFFFCC00  }
0x35: {  	[tilespmem:s1], [sflag:$0x5] =	stream.indirect.gather @p1 [spmem:s3], $0x80, s0, s6, $0xb8;
	[tilespmem:$0x1E800] =	vst v63  }
0x36: {  	_ =	swait.ge @p1 [sflag:s7], $0x3400  }
0x37: {  	s9 =	simm.s32 @p1 $0xF;
	[sflag:s7] =	ssyncset.done @p1 $0x0  }
0x38: {  	s0 =	simm.s32 @p1 $0xA80;
	s1 =	simm.s32 @p1 $0x14C00;
	[sflag:s7] =	ssyncadd.s32 @p1 $0xFFFFCC00  }
0x39: {  	[tilespmem:s1], [sflag:$0x6] =	stream.indirect.gather @p1 [spmem:s3], $0x80, s0, s6, $0xb8;
	[tilespmem:$0x1E800] =	vst v63  }
0x3a: {  	_ =	swait.ge @p1 [sflag:s9], $0x3400  }
0x3b: {  	s7 =	simm.s32 @p1 $0x10;
	[sflag:s9] =	ssyncset.done @p1 $0x0  }
0x3c: {  	s0 =	simm.s32 @p1 $0xB00;
	s1 =	simm.s32 @p1 $0x18000;
	[sflag:s9] =	ssyncadd.s32 @p1 $0xFFFFCC00  }
0x3d: {  	[tilespmem:s1], [sflag:$0x7] =	stream.indirect.gather @p1 [spmem:s3], $0x80, s0, s6, $0xb8;
	[tilespmem:$0x1E800] =	vst v63  }
0x3e: {  	_ =	swait.ge @p1 [sflag:s7], $0x3400  }
0x3f: {  	s1 =	simm.s32 @!p1 $0x68;
	[sflag:s7] =	ssyncset.done @p1 $0x0  }
0x40: {  	s0 =	simm.s32 @!p1 $0x800;
	s6 =	simm.s32 @!p1 $0x4800;
	[sflag:s7] =	ssyncadd.s32 @p1 $0xFFFFCC00  }
0x41: {  	[tilespmem:s6], [sflag:$0x1] =	stream.indirect.gather @!p1 [spmem:s3], $0x80, s0, s1, $0xb8;
	[tilespmem:$0x1E800] =	vst v63  }
0x42: {  	s0 =	simm.s32 @!p1 $0x880;
	s6 =	simm.s32 @!p1 $0x7C00  }
0x43: {  	[tilespmem:s6], [sflag:$0x2] =	stream.indirect.gather @!p1 [spmem:s3], $0x80, s0, s1, $0xb8;
	[tilespmem:$0x1E800] =	vst v63  }
0x44: {  	s30 =	simm.s32 $0x1;
	s0 =	simm.s32 $0x7  }
0x45: {  	s7 =	simm.s32 @!p1 $0xB000;
	s6 =	simm.s32 @!p1 $0x900;
	s0 =	simm.s32 @!p1 $0x7  }
0x46: {  	[tilespmem:s7], [sflag:$0x3] =	stream.indirect.gather @!p1 [spmem:s3], $0x80, s6, s1, $0xb8;
	[tilespmem:$0x1E800] =	vst v63  }
0x47: {  	s6 =	simm.s32 @!p1 $0x980;
	s7 =	simm.s32 @!p1 $0xE400;
	s28 =	sshll.u32 s0, $0x7  }
0x48: {  	[tilespmem:s7], [sflag:$0x4] =	stream.indirect.gather @!p1 [spmem:s3], $0x80, s6, s1, $0xb8;
	[tilespmem:$0x1E800] =	vst v63  }
0x49: {  	s9 =	simm.s32 @!p1 $0x11800;
	s10 =	rddreg [dreg:$0x5];
	s6 =	sand.u32 $0x3FFFFF80, s28  }
0x4a: {  	s0 =	smul.u32 $0x68, s0;
	s7 =	simm.s32 @!p1 $0xA00;
	s29 =	sadd.s32 $0x800, s6  }
0x4b: {  	[tilespmem:s9], [sflag:$0x5] =	stream.indirect.gather @!p1 [spmem:s3], $0x80, s7, s1, $0xb8;
	[tilespmem:$0x1E800] =	vst v63  }
0x4c: {  	s6 =	simm.s32 @p1 $0x68;
	s7 =	simm.s32 @!p1 $0xA80;
	s9 =	simm.s32 @!p1 $0x14C00  }
0x4d: {  	[tilespmem:s9], [sflag:$0x6] =	stream.indirect.gather @!p1 [spmem:s3], $0x80, s7, s1, $0xb8;
	[tilespmem:$0x1E800] =	vst v63  }
0x4e: {  	s6 =	simm.s32 @!p1 $0x68;
	s7 =	simm.s32 @!p1 $0xB00;
	s9 =	simm.s32 @!p1 $0x18000  }
0x4f: {  	[tilespmem:s9], [sflag:$0x7] =	stream.indirect.gather @!p1 [spmem:s3], $0x80, s7, s1, $0xb8;
	[tilespmem:$0x1E800] =	vst v63  }
0x50: {  	s0 =	sadd.s32 s5, s0;
	s9 =	sadd.s32 s5, s6;
	s7 =	simm.s32 @p1 $0xD0  }
0x51: {  	[tilespmem:s8], [sflag:$0x8] =	stream.indirect.gather [spmem:s3], $0x80, s29, s10, $0xb8;
	[tilespmem:$0x1E800] =	vst v63  }
0x52: {  	s1 =	sshll.u32 s9, $0x4;
	s7 =	simm.s32 @!p1 $0xD0;
	_ =	swait.ge [sflag:s30], $0x3400  }
0x53: {  	s11 =	sadd.s32 s5, s7;
	s31 =	rddreg [dreg:$0x6];
	[sflag:s30] =	ssyncset.done $0x0  }
0x54: {  	s7 =	simm.s32 @p1 $0x138;
	s8 =	rddreg [dreg:$0xf];
	[sflag:s30] =	ssyncadd.s32 $0xFFFFCC00  }
0x55: {  	[hbm4b:s8+s4] =	stream.linear.scatter [tilespmem:s31], [sflag:$0x9], $0x3400, $0x38;
	[tilespmem:$0x1E800] =	vst v63  }
0x56: {  	s9 =	simm.s32 $0x2000;
	s7 =	simm.s32 @!p1 $0x138;
	_ =	swait.ge [sflag:s14], $0x3400  }
0x57: {  	s1 =	sadd.s32 s2, s1;
	s21 =	sadd.s32 s5, s7;
	[sflag:s14] =	ssyncset.done $0x0  }
0x58: {  	s7 =	simm.s32 @p1 $0x1A0;
	s10 =	rddreg [dreg:$0x7];
	[sflag:s14] =	ssyncadd.s32 $0xFFFFCC00  }
0x59: {  	[hbm4b:s1+s4] =	stream.linear.scatter [tilespmem:s10], [sflag:$0xA], $0x3400, $0x38;
	[tilespmem:$0x1E800] =	vst v63  }
0x5a: {  	s7 =	simm.s32 @!p1 $0x1A0;
	s30 =	sshll.u32 s0, $0x4;
	_ =	swait.ge [sflag:s15], $0x3400  }
0x5b: {  	s0 =	simm.s32 $0x5B0;
	s1 =	sshll.u32 s11, $0x4;
	[sflag:s15] =	ssyncset.done $0x0  }
0x5c: {  	s1 =	sadd.s32 s2, s1;
	s12 =	rddreg [dreg:$0x8];
	[sflag:s15] =	ssyncadd.s32 $0xFFFFCC00  }
0x5d: {  	[hbm4b:s1+s4] =	stream.linear.scatter [tilespmem:s12], [sflag:$0xB], $0x3400, $0x38;
	[tilespmem:$0x1E800] =	vst v63  }
0x5e: {  	s23 =	sadd.s32 s5, s7;
	s7 =	simm.s32 @p1 $0x208;
	_ =	swait.ge [sflag:s16], $0x3400  }
0x5f: {  	s7 =	simm.s32 @!p1 $0x208;
	s1 =	sshll.u32 s21, $0x4;
	[sflag:s16] =	ssyncset.done $0x0  }
0x60: {  	s1 =	sadd.s32 s2, s1;
	s22 =	rddreg [dreg:$0x9];
	[sflag:s16] =	ssyncadd.s32 $0xFFFFCC00  }
0x61: {  	[hbm4b:s1+s4] =	stream.linear.scatter [tilespmem:s22], [sflag:$0xC], $0x3400, $0x38;
	[tilespmem:$0x1E800] =	vst v63  }
0x62: {  	s25 =	sadd.s32 s5, s7;
	s7 =	simm.s32 $0x270;
	_ =	swait.ge [sflag:s17], $0x3400  }
0x63: {  	s7 =	simm.s32 @!p1 $0x270;
	s1 =	sshll.u32 s23, $0x4;
	[sflag:s17] =	ssyncset.done $0x0  }
0x64: {  	s1 =	sadd.s32 s2, s1;
	s24 =	rddreg [dreg:$0xa];
	[sflag:s17] =	ssyncadd.s32 $0xFFFFCC00  }
0x65: {  	[hbm4b:s1+s4] =	stream.linear.scatter [tilespmem:s24], [sflag:$0xD], $0x3400, $0x38;
	[tilespmem:$0x1E800] =	vst v63  }
0x66: {  	p1 =	por $0x1, $0x1;
	s11 =	simm.s32 $0x1000;
	_ =	swait.ge [sflag:s18], $0x3400  }
0x67: {  	s28 =	sadd.s32 s5, s7;
	s1 =	sshll.u32 s25, $0x4;
	[sflag:s18] =	ssyncset.done $0x0  }
0x68: {  	s1 =	sadd.s32 s2, s1;
	s26 =	rddreg [dreg:$0xb];
	[sflag:s18] =	ssyncadd.s32 $0xFFFFCC00  }
0x69: {  	[hbm4b:s1+s4] =	stream.linear.scatter [tilespmem:s26], [sflag:$0xE], $0x3400, $0x38;
	[tilespmem:$0x1E800] =	vst v63  }
0x6a: {  	s10 =	sadd.s32 s2, s30;
	s1 =	sshll.u32 s28, $0x4;
	_ =	swait.ge [sflag:s19], $0x3400  }
0x6b: {  	s21 =	simm.s32 $0xF;
	s31 =	sadd.s32 s2, s1;
	[sflag:s19] =	ssyncset.done $0x0  }
0x6c: {  	s1 =	sadd.s32 $0x3400, s8;
	s29 =	rddreg [dreg:$0xc];
	[sflag:s19] =	ssyncadd.s32 $0xFFFFCC00  }
0x6d: {  	[hbm4b:s31+s4] =	stream.linear.scatter [tilespmem:s29], [sflag:$0xF], $0x3400, $0x38;
	[tilespmem:$0x1E800] =	vst v63  }
.LBB2_2:
0x6e: {  	_ =	swait.ge [sflag:s20], $0x3400  }
0x6f: {  	[sflag:s20] =	ssyncset.done $0x0  }
0x70: {  	s22 =	simm.s32 @p1 $0x9;
	[sflag:s20] =	ssyncadd.s32 $0xFFFFCC00  }
0x71: {  	[hbm4b:s10+s4] =	stream.linear.scatter [tilespmem:s13], [sflag:$0x10], $0x3400, $0x38;
	[tilespmem:$0x1E800] =	vst v63  }
0x72: {  	s24 =	sshra.s32 @p1 s11, $0x2;
	_ =	swait.ge @p1 [sflag:s22], $0x3400  }
0x73: {  	s11 =	simm.s32 @p1 $0x68;
	s25 =	simm.s32 @p1 $0xA;
	[sflag:s22] =	ssyncset.done @p1 $0x0  }
0x74: {  	s10 =	sadd.s32 @p1 $0x800, s24;
	[sflag:s22] =	ssyncadd.s32 @p1 $0xFFFFCC00;
	s22 =	simm.s32 @p1 $0x4800  }
0x75: {  	[tilespmem:s22], [sflag:$0x1] =	stream.indirect.gather @p1 [spmem:s3], $0x80, s10, s11, $0xb8;
	[tilespmem:$0x1E800] =	vst v63  }
0x76: {  	_ =	swait.ge @p1 [sflag:s25], $0x3400  }
0x77: {  	s31 =	smov.u32 s21;
	s26 =	sadd.s32 @p1 $0x880, s24;
	[sflag:s25] =	ssyncset.done @p1 $0x0  }
0x78: {  	s10 =	simm.s32 @p1 $0x7C00;
	s22 =	simm.s32 @p1 $0xB;
	[sflag:s25] =	ssyncadd.s32 @p1 $0xFFFFCC00  }
0x79: {  	[tilespmem:s10], [sflag:$0x2] =	stream.indirect.gather @p1 [spmem:s3], $0x80, s26, s11, $0xb8;
	[tilespmem:$0x1E800] =	vst v63  }
0x7a: {  	s7 =	smov.u32 s9;
	s23 =	sadd.s32 @p1 $0xFFFFFDF8, s0;
	_ =	swait.ge @p1 [sflag:s22], $0x3400  }
0x7b: {  	s30 =	sadd.s32 @p1 $0xFFFFFE60, s0;
	s29 =	sadd.s32 @p1 $0x900, s24;
	[sflag:s22] =	ssyncset.done @p1 $0x0  }
0x7c: {  	s10 =	simm.s32 @p1 $0xB000;
	s26 =	simm.s32 @p1 $0xC;
	[sflag:s22] =	ssyncadd.s32 @p1 $0xFFFFCC00  }
0x7d: {  	[tilespmem:s10], [sflag:$0x3] =	stream.indirect.gather @p1 [spmem:s3], $0x80, s29, s11, $0xb8;
	[tilespmem:$0x1E800] =	vst v63  }
0x7e: {  	s31 =	simm.s32 @!p1 $0x7;
	s23 =	simm.s32 @!p1 $0x68;
	_ =	swait.ge @p1 [sflag:s26], $0x3400  }
0x7f: {  	s28 =	sadd.s32 @p1 $0x980, s24;
	s12 =	sadd.s32 s5, s23;
	[sflag:s26] =	ssyncset.done @p1 $0x0  }
0x80: {  	s23 =	simm.s32 @p1 $0xE400;
	s29 =	simm.s32 @p1 $0xD;
	[sflag:s26] =	ssyncadd.s32 @p1 $0xFFFFCC00  }
0x81: {  	[tilespmem:s23], [sflag:$0x4] =	stream.indirect.gather @p1 [spmem:s3], $0x80, s28, s11, $0xb8;
	[tilespmem:$0x1E800] =	vst v63  }
0x82: {  	s8 =	sadd.s32 @p1 $0xA80, s24;
	s30 =	simm.s32 @!p1 $0xD0;
	_ =	swait.ge @p1 [sflag:s29], $0x3400  }
0x83: {  	s6 =	sshll.u32 s31, $0x7;
	s25 =	sadd.s32 @p1 $0xA00, s24;
	[sflag:s29] =	ssyncset.done @p1 $0x0  }
0x84: {  	s23 =	simm.s32 @p1 $0x11800;
	s28 =	simm.s32 @p1 $0xE;
	[sflag:s29] =	ssyncadd.s32 @p1 $0xFFFFCC00  }
0x85: {  	[tilespmem:s23], [sflag:$0x5] =	stream.indirect.gather @p1 [spmem:s3], $0x80, s25, s11, $0xb8;
	[tilespmem:$0x1E800] =	vst v63  }
0x86: {  	s22 =	sshll.u32 s12, $0x4;
	s12 =	sadd.s32 s5, s30;
	_ =	swait.ge @p1 [sflag:s28], $0x3400  }
0x87: {  	s6 =	sand.u32 $0x3FFFFF80, s6;
	s10 =	sshll.u32 s12, $0x4;
	[sflag:s28] =	ssyncset.done @p1 $0x0  }
0x88: {  	s12 =	simm.s32 @p1 $0xF;
	s29 =	simm.s32 @p1 $0x14C00;
	[sflag:s28] =	ssyncadd.s32 @p1 $0xFFFFCC00  }
0x89: {  	[tilespmem:s29], [sflag:$0x6] =	stream.indirect.gather @p1 [spmem:s3], $0x80, s8, s11, $0xb8;
	[tilespmem:$0x1E800] =	vst v63  }
0x8a: {  	s6 =	sadd.s32 $0x800, s6;
	s30 =	sadd.s32 @p1 $0xFFFFFF30, s0;
	_ =	swait.ge @p1 [sflag:s12], $0x3400  }
0x8b: {  	s24 =	sadd.s32 @p1 $0xB00, s24;
	s30 =	simm.s32 @!p1 $0x1A0;
	[sflag:s12] =	ssyncset.done @p1 $0x0  }
0x8c: {  	s28 =	simm.s32 @p1 $0x10;
	s8 =	simm.s32 @p1 $0x18000;
	[sflag:s12] =	ssyncadd.s32 @p1 $0xFFFFCC00  }
0x8d: {  	[tilespmem:s8], [sflag:$0x7] =	stream.indirect.gather @p1 [spmem:s3], $0x80, s24, s11, $0xb8;
	[tilespmem:$0x1E800] =	vst v63  }
0x8e: {  	s30 =	sadd.s32 s5, s30;
	s29 =	smov.u32 s0;
	_ =	swait.ge @p1 [sflag:s28], $0x3400  }
0x8f: {  	s29 =	simm.s32 @!p1 $0x270;
	s12 =	simm.s32 @!p1 $0x4800;
	[sflag:s28] =	ssyncset.done @p1 $0x0  }
0x90: {  	s8 =	simm.s32 @!p1 $0x68;
	s11 =	simm.s32 @!p1 $0x800;
	[sflag:s28] =	ssyncadd.s32 @p1 $0xFFFFCC00  }
0x91: {  	[tilespmem:s12], [sflag:$0x1] =	stream.indirect.gather @!p1 [spmem:s3], $0x80, s11, s8, $0xb8;
	[tilespmem:$0x1E800] =	vst v63  }
0x92: {  	s29 =	sadd.s32 s5, s29;
	s11 =	simm.s32 @!p1 $0x880;
	s12 =	simm.s32 @!p1 $0x7C00  }
0x93: {  	[tilespmem:s12], [sflag:$0x2] =	stream.indirect.gather @!p1 [spmem:s3], $0x80, s11, s8, $0xb8;
	[tilespmem:$0x1E800] =	vst v63  }
0x94: {  	s24 =	sshll.u32 s29, $0x4;
	s11 =	simm.s32 @!p1 $0x900;
	s12 =	simm.s32 @!p1 $0xB000  }
0x95: {  	[tilespmem:s12], [sflag:$0x3] =	stream.indirect.gather @!p1 [spmem:s3], $0x80, s11, s8, $0xb8;
	[tilespmem:$0x1E800] =	vst v63  }
0x96: {  	s29 =	smul.u32 $0x68, s31;
	s11 =	simm.s32 @!p1 $0x980;
	s12 =	simm.s32 @!p1 $0xE400  }
0x97: {  	[tilespmem:s12], [sflag:$0x4] =	stream.indirect.gather @!p1 [spmem:s3], $0x80, s11, s8, $0xb8;
	[tilespmem:$0x1E800] =	vst v63  }
0x98: {  	s28 =	sadd.s32 s5, s29;
	s11 =	simm.s32 @!p1 $0xA00;
	s12 =	simm.s32 @!p1 $0x11800  }
0x99: {  	[tilespmem:s12], [sflag:$0x5] =	stream.indirect.gather @!p1 [spmem:s3], $0x80, s11, s8, $0xb8;
	[tilespmem:$0x1E800] =	vst v63  }
0x9a: {  	s31 =	sshll.u32 s28, $0x4;
	s28 =	simm.s32 @!p1 $0x14C00;
	s12 =	simm.s32 @!p1 $0xA80  }
0x9b: {  	[tilespmem:s28], [sflag:$0x6] =	stream.indirect.gather @!p1 [spmem:s3], $0x80, s12, s8, $0xb8;
	[tilespmem:$0x1E800] =	vst v63  }
0x9c: {  	s11 =	smov.u32 s7;
	s7 =	simm.s32 @!p1 $0xB00;
	s12 =	simm.s32 @!p1 $0x18000  }
0x9d: {  	[tilespmem:s12], [sflag:$0x7] =	stream.indirect.gather @!p1 [spmem:s3], $0x80, s7, s8, $0xb8;
	[tilespmem:$0x1E800] =	vst v63  }
0x9e: {  	s23 =	sshll.u32 s30, $0x4;
	s30 =	rddreg [dreg:$0x5];
	s12 =	simm.s32 $0x1  }
0x9f: {  	[tilespmem:s13], [sflag:$0x8] =	stream.indirect.gather [spmem:s3], $0x80, s6, s30, $0xb8;
	[tilespmem:$0x1E800] =	vst v63  }
0xa0: {  	_ =	swait.ge [sflag:s12], $0x3400  }
0xa1: {  	[sflag:s12] =	ssyncset.done $0x0  }
0xa2: {  	s28 =	rddreg [dreg:$0x6];
	[sflag:s12] =	ssyncadd.s32 $0xFFFFCC00  }
0xa3: {  	[hbm4b:s1+s4] =	stream.linear.scatter [tilespmem:s28], [sflag:$0x9], $0x3400, $0x38;
	[tilespmem:$0x1E800] =	vst v63  }
0xa4: {  	_ =	swait.ge [sflag:s14], $0x3400  }
0xa5: {  	[sflag:s14] =	ssyncset.done $0x0  }
0xa6: {  	s30 =	sadd.s32 s2, s22;
	s29 =	rddreg [dreg:$0x7];
	[sflag:s14] =	ssyncadd.s32 $0xFFFFCC00  }
0xa7: {  	[hbm4b:s30+s4] =	stream.linear.scatter [tilespmem:s29], [sflag:$0xA], $0x3400, $0x38;
	[tilespmem:$0x1E800] =	vst v63  }
0xa8: {  	s26 =	sadd.s32 @p1 $0xFFFFFEC8, s0;
	_ =	swait.ge [sflag:s15], $0x3400  }
0xa9: {  	s26 =	simm.s32 @!p1 $0x138;
	[sflag:s15] =	ssyncset.done $0x0  }
0xaa: {  	s8 =	sadd.s32 s2, s10;
	s7 =	rddreg [dreg:$0x8];
	[sflag:s15] =	ssyncadd.s32 $0xFFFFCC00  }
0xab: {  	[hbm4b:s8+s4] =	stream.linear.scatter [tilespmem:s7], [sflag:$0xB], $0x3400, $0x38;
	[tilespmem:$0x1E800] =	vst v63  }
0xac: {  	s26 =	sadd.s32 s5, s26;
	_ =	swait.ge [sflag:s16], $0x3400  }
0xad: {  	s25 =	sshll.u32 s26, $0x4;
	[sflag:s16] =	ssyncset.done $0x0  }
0xae: {  	s12 =	sadd.s32 s2, s25;
	s10 =	rddreg [dreg:$0x9];
	[sflag:s16] =	ssyncadd.s32 $0xFFFFCC00  }
0xaf: {  	[hbm4b:s12+s4] =	stream.linear.scatter [tilespmem:s10], [sflag:$0xC], $0x3400, $0x38;
	[tilespmem:$0x1E800] =	vst v63  }
0xb0: {  	s26 =	sadd.s32 @p1 $0xFFFFFF98, s0;
	_ =	swait.ge [sflag:s17], $0x3400  }
0xb1: {  	s26 =	simm.s32 @!p1 $0x208;
	[sflag:s17] =	ssyncset.done $0x0  }
0xb2: {  	s23 =	sadd.s32 s2, s23;
	s22 =	rddreg [dreg:$0xa];
	[sflag:s17] =	ssyncadd.s32 $0xFFFFCC00  }
0xb3: {  	[hbm4b:s23+s4] =	stream.linear.scatter [tilespmem:s22], [sflag:$0xD], $0x3400, $0x38;
	[tilespmem:$0x1E800] =	vst v63  }
0xb4: {  	s9 =	sadd.s32 $0x1000, s9;
	s26 =	sadd.s32 s5, s26;
	_ =	swait.ge [sflag:s18], $0x3400  }
0xb5: {  	p2 =	sne.s32 s9, $0x10000;
	s26 =	sshll.u32 s26, $0x4;
	[sflag:s18] =	ssyncset.done $0x0  }
0xb6: {  	s28 =	sadd.s32 s2, s26;
	s25 =	rddreg [dreg:$0xb];
	[sflag:s18] =	ssyncadd.s32 $0xFFFFCC00  }
0xb7: {  	[hbm4b:s28+s4] =	stream.linear.scatter [tilespmem:s25], [sflag:$0xE], $0x3400, $0x38;
	[tilespmem:$0x1E800] =	vst v63  }
.Ltmp0:
0xb8: {  	s21 =	sadd.s32 $0x8, s21;
	(pc) =	sbr.rel @p2 .LBB2_2-.Ltmp0, $4  }
0xb9: {  	s0 =	sadd.s32 $0x340, s0;
	p1 =	sne.s32 s11, $0x0;
	_ =	swait.ge [sflag:s19], $0x3400  }
0xba: {  	s1 =	sadd.s32 $0x3400, s1;
	s30 =	sadd.s32 s2, s24;
	[sflag:s19] =	ssyncset.done $0x0  }
0xbb: {  	s10 =	sadd.s32 s2, s31;
	s29 =	rddreg [dreg:$0xc];
	[sflag:s19] =	ssyncadd.s32 $0xFFFFCC00  }
0xbc: {  	[hbm4b:s30+s4] =	stream.linear.scatter [tilespmem:s29], [sflag:$0xF], $0x3400, $0x38;
	[tilespmem:$0x1E800] =	vst v63  }
0xbd: {  	_ =	swait.ge [sflag:s20], $0x3400  }
0xbe: {  	[sflag:s20] =	ssyncset.done $0x0  }
0xbf: {  	s6 =	simm.s32 @p1 $0x9;
	s12 =	simm.s32 $0x1B400;
	[sflag:s20] =	ssyncadd.s32 $0xFFFFCC00  }
0xc0: {  	[hbm4b:s10+s4] =	stream.linear.scatter [tilespmem:s12], [sflag:$0x10], $0x3400, $0x38;
	[tilespmem:$0x1E800] =	vst v63  }
0xc1: {  	_ =	swait.ge @p1 [sflag:s6], $0x3400  }
0xc2: {  	s7 =	sshra.s32 @p1 s11, $0x2;
	s9 =	simm.s32 @p1 $0x68;
	[sflag:s6] =	ssyncset.done @p1 $0x0  }
0xc3: {  	s8 =	sadd.s32 @p1 $0x800, s7;
	[sflag:s6] =	ssyncadd.s32 @p1 $0xFFFFCC00;
	s6 =	simm.s32 @p1 $0x4800  }
0xc4: {  	[tilespmem:s6], [sflag:$0x1] =	stream.indirect.gather @p1 [spmem:s3], $0x80, s8, s9, $0xb8;
	[tilespmem:$0x1E800] =	vst v63  }
0xc5: {  	s6 =	simm.s32 @p1 $0xA  }
0xc6: {  	_ =	swait.ge @p1 [sflag:s6], $0x3400  }
0xc7: {  	[sflag:s6] =	ssyncset.done @p1 $0x0  }
0xc8: {  	s8 =	sadd.s32 @p1 $0x880, s7;
	[sflag:s6] =	ssyncadd.s32 @p1 $0xFFFFCC00;
	s6 =	simm.s32 @p1 $0x7C00  }
0xc9: {  	[tilespmem:s6], [sflag:$0x2] =	stream.indirect.gather @p1 [spmem:s3], $0x80, s8, s9, $0xb8;
	[tilespmem:$0x1E800] =	vst v63  }
0xca: {  	s6 =	simm.s32 @p1 $0xB  }
0xcb: {  	_ =	swait.ge @p1 [sflag:s6], $0x3400  }
0xcc: {  	[sflag:s6] =	ssyncset.done @p1 $0x0  }
0xcd: {  	s8 =	sadd.s32 @p1 $0x900, s7;
	[sflag:s6] =	ssyncadd.s32 @p1 $0xFFFFCC00;
	s6 =	simm.s32 @p1 $0xB000  }
0xce: {  	[tilespmem:s6], [sflag:$0x3] =	stream.indirect.gather @p1 [spmem:s3], $0x80, s8, s9, $0xb8;
	[tilespmem:$0x1E800] =	vst v63  }
0xcf: {  	s6 =	simm.s32 @p1 $0xC  }
0xd0: {  	_ =	swait.ge @p1 [sflag:s6], $0x3400  }
0xd1: {  	[sflag:s6] =	ssyncset.done @p1 $0x0  }
0xd2: {  	s8 =	sadd.s32 @p1 $0x980, s7;
	[sflag:s6] =	ssyncadd.s32 @p1 $0xFFFFCC00;
	s6 =	simm.s32 @p1 $0xE400  }
0xd3: {  	[tilespmem:s6], [sflag:$0x4] =	stream.indirect.gather @p1 [spmem:s3], $0x80, s8, s9, $0xb8;
	[tilespmem:$0x1E800] =	vst v63  }
0xd4: {  	s6 =	simm.s32 @p1 $0xD  }
0xd5: {  	_ =	swait.ge @p1 [sflag:s6], $0x3400  }
0xd6: {  	[sflag:s6] =	ssyncset.done @p1 $0x0  }
0xd7: {  	s8 =	sadd.s32 @p1 $0xA00, s7;
	[sflag:s6] =	ssyncadd.s32 @p1 $0xFFFFCC00;
	s6 =	simm.s32 @p1 $0x11800  }
0xd8: {  	[tilespmem:s6], [sflag:$0x5] =	stream.indirect.gather @p1 [spmem:s3], $0x80, s8, s9, $0xb8;
	[tilespmem:$0x1E800] =	vst v63  }
0xd9: {  	s6 =	simm.s32 @p1 $0xE  }
0xda: {  	_ =	swait.ge @p1 [sflag:s6], $0x3400  }
0xdb: {  	[sflag:s6] =	ssyncset.done @p1 $0x0  }
0xdc: {  	s8 =	sadd.s32 @p1 $0xA80, s7;
	[sflag:s6] =	ssyncadd.s32 @p1 $0xFFFFCC00;
	s6 =	simm.s32 @p1 $0x14C00  }
0xdd: {  	[tilespmem:s6], [sflag:$0x6] =	stream.indirect.gather @p1 [spmem:s3], $0x80, s8, s9, $0xb8;
	[tilespmem:$0x1E800] =	vst v63  }
0xde: {  	s6 =	simm.s32 @p1 $0xF  }
0xdf: {  	_ =	swait.ge @p1 [sflag:s6], $0x3400  }
0xe0: {  	[sflag:s6] =	ssyncset.done @p1 $0x0  }
0xe1: {  	s7 =	sadd.s32 @p1 $0xB00, s7;
	[sflag:s6] =	ssyncadd.s32 @p1 $0xFFFFCC00;
	s6 =	simm.s32 @p1 $0x18000  }
0xe2: {  	[tilespmem:s6], [sflag:$0x7] =	stream.indirect.gather @p1 [spmem:s3], $0x80, s7, s9, $0xb8;
	[tilespmem:$0x1E800] =	vst v63  }
0xe3: {  	s6 =	simm.s32 @p1 $0x10  }
0xe4: {  	_ =	swait.ge @p1 [sflag:s6], $0x3400  }
0xe5: {  	s8 =	simm.s32 @!p1 $0x800;
	[sflag:s6] =	ssyncset.done @p1 $0x0  }
0xe6: {  	s7 =	simm.s32 @!p1 $0x68;
	[sflag:s6] =	ssyncadd.s32 @p1 $0xFFFFCC00;
	s6 =	simm.s32 @!p1 $0x4800  }
0xe7: {  	[tilespmem:s6], [sflag:$0x1] =	stream.indirect.gather @!p1 [spmem:s3], $0x80, s8, s7, $0xb8;
	[tilespmem:$0x1E800] =	vst v63  }
0xe8: {  	s6 =	simm.s32 @!p1 $0x880;
	s8 =	simm.s32 @!p1 $0x7C00  }
0xe9: {  	[tilespmem:s8], [sflag:$0x2] =	stream.indirect.gather @!p1 [spmem:s3], $0x80, s6, s7, $0xb8;
	[tilespmem:$0x1E800] =	vst v63  }
0xea: {  	s6 =	simm.s32 @!p1 $0x900;
	s8 =	simm.s32 @!p1 $0xB000  }
0xeb: {  	[tilespmem:s8], [sflag:$0x3] =	stream.indirect.gather @!p1 [spmem:s3], $0x80, s6, s7, $0xb8;
	[tilespmem:$0x1E800] =	vst v63  }
0xec: {  	s6 =	simm.s32 @!p1 $0x980;
	s8 =	simm.s32 @!p1 $0xE400  }
0xed: {  	[tilespmem:s8], [sflag:$0x4] =	stream.indirect.gather @!p1 [spmem:s3], $0x80, s6, s7, $0xb8;
	[tilespmem:$0x1E800] =	vst v63  }
0xee: {  	s6 =	simm.s32 @!p1 $0xA00;
	s8 =	simm.s32 @!p1 $0x11800  }
0xef: {  	[tilespmem:s8], [sflag:$0x5] =	stream.indirect.gather @!p1 [spmem:s3], $0x80, s6, s7, $0xb8;
	[tilespmem:$0x1E800] =	vst v63  }
0xf0: {  	s21 =	simm.s32 @!p1 $0x7;
	s6 =	simm.s32 @!p1 $0xA80;
	s8 =	simm.s32 @!p1 $0x14C00  }
0xf1: {  	[tilespmem:s8], [sflag:$0x6] =	stream.indirect.gather @!p1 [spmem:s3], $0x80, s6, s7, $0xb8;
	[tilespmem:$0x1E800] =	vst v63  }
0xf2: {  	s24 =	sshll.u32 s21, $0x7;
	s6 =	simm.s32 @!p1 $0xB00;
	s8 =	simm.s32 @!p1 $0x18000  }
0xf3: {  	[tilespmem:s8], [sflag:$0x7] =	stream.indirect.gather @!p1 [spmem:s3], $0x80, s6, s7, $0xb8;
	[tilespmem:$0x1E800] =	vst v63  }
0xf4: {  	s6 =	sand.u32 $0x3FFFFF80, s24  }
0xf5: {  	s26 =	simm.s32 $0x1;
	s25 =	rddreg [dreg:$0x5];
	s6 =	sadd.s32 $0x800, s6  }
0xf6: {  	[tilespmem:s12], [sflag:$0x8] =	stream.indirect.gather [spmem:s3], $0x80, s6, s25, $0xb8;
	[tilespmem:$0x1E800] =	vst v63  }
0xf7: {  	_ =	swait.ge [sflag:s26], $0x3400  }
0xf8: {  	[sflag:s26] =	ssyncset.done $0x0  }
0xf9: {  	s28 =	rddreg [dreg:$0x6];
	[sflag:s26] =	ssyncadd.s32 $0xFFFFCC00  }
0xfa: {  	[hbm4b:s1+s4] =	stream.linear.scatter [tilespmem:s28], [sflag:$0x9], $0x3400, $0x38;
	[tilespmem:$0x1E800] =	vst v63  }
0xfb: {  	s1 =	sadd.s32 @p1 $0xFFFFFDF8, s0  }
0xfc: {  	s1 =	simm.s32 @!p1 $0x68  }
0xfd: {  	_ =	swait.ge [sflag:s14], $0x3400;
	s1 =	sadd.s32 s5, s1  }
0xfe: {  	[sflag:s14] =	ssyncset.done $0x0;
	s1 =	sshll.u32 s1, $0x4  }
0xff: {  	s29 =	rddreg [dreg:$0x7];
	[sflag:s14] =	ssyncadd.s32 $0xFFFFCC00;
	s1 =	sadd.s32 s2, s1  }
0x100: {  	[hbm4b:s1+s4] =	stream.linear.scatter [tilespmem:s29], [sflag:$0xA], $0x3400, $0x38;
	[tilespmem:$0x1E800] =	vst v63  }
0x101: {  	s1 =	sadd.s32 @p1 $0xFFFFFE60, s0  }
0x102: {  	s1 =	simm.s32 @!p1 $0xD0  }
0x103: {  	_ =	swait.ge [sflag:s15], $0x3400;
	s1 =	sadd.s32 s5, s1  }
0x104: {  	[sflag:s15] =	ssyncset.done $0x0;
	s1 =	sshll.u32 s1, $0x4  }
0x105: {  	s30 =	rddreg [dreg:$0x8];
	[sflag:s15] =	ssyncadd.s32 $0xFFFFCC00;
	s1 =	sadd.s32 s2, s1  }
0x106: {  	[hbm4b:s1+s4] =	stream.linear.scatter [tilespmem:s30], [sflag:$0xB], $0x3400, $0x38;
	[tilespmem:$0x1E800] =	vst v63  }
0x107: {  	s1 =	sadd.s32 @p1 $0xFFFFFEC8, s0  }
0x108: {  	s1 =	simm.s32 @!p1 $0x138  }
0x109: {  	_ =	swait.ge [sflag:s16], $0x3400;
	s1 =	sadd.s32 s5, s1  }
0x10a: {  	[sflag:s16] =	ssyncset.done $0x0;
	s1 =	sshll.u32 s1, $0x4  }
0x10b: {  	s31 =	rddreg [dreg:$0x9];
	[sflag:s16] =	ssyncadd.s32 $0xFFFFCC00;
	s1 =	sadd.s32 s2, s1  }
0x10c: {  	[hbm4b:s1+s4] =	stream.linear.scatter [tilespmem:s31], [sflag:$0xC], $0x3400, $0x38;
	[tilespmem:$0x1E800] =	vst v63  }
0x10d: {  	s1 =	sadd.s32 @p1 $0xFFFFFF30, s0  }
0x10e: {  	s1 =	simm.s32 @!p1 $0x1A0  }
0x10f: {  	_ =	swait.ge [sflag:s17], $0x3400;
	s1 =	sadd.s32 s5, s1  }
0x110: {  	[sflag:s17] =	ssyncset.done $0x0;
	s1 =	sshll.u32 s1, $0x4  }
0x111: {  	s7 =	rddreg [dreg:$0xa];
	[sflag:s17] =	ssyncadd.s32 $0xFFFFCC00;
	s1 =	sadd.s32 s2, s1  }
0x112: {  	[hbm4b:s1+s4] =	stream.linear.scatter [tilespmem:s7], [sflag:$0xD], $0x3400, $0x38;
	[tilespmem:$0x1E800] =	vst v63  }
0x113: {  	s1 =	sadd.s32 @p1 $0xFFFFFF98, s0  }
0x114: {  	s1 =	simm.s32 @!p1 $0x208  }
0x115: {  	_ =	swait.ge [sflag:s18], $0x3400;
	s1 =	sadd.s32 s5, s1  }
0x116: {  	s0 =	simm.s32 @!p1 $0x270;
	[sflag:s18] =	ssyncset.done $0x0;
	s1 =	sshll.u32 s1, $0x4  }
0x117: {  	s8 =	rddreg [dreg:$0xb];
	[sflag:s18] =	ssyncadd.s32 $0xFFFFCC00;
	s1 =	sadd.s32 s2, s1  }
0x118: {  	[hbm4b:s1+s4] =	stream.linear.scatter [tilespmem:s8], [sflag:$0xE], $0x3400, $0x38;
	[tilespmem:$0x1E800] =	vst v63  }
0x119: {  	s0 =	sadd.s32 s5, s0;
	_ =	swait.ge [sflag:s19], $0x3400  }
0x11a: {  	s10 =	smul.u32 $0x68, s21;
	s0 =	sshll.u32 s0, $0x4;
	[sflag:s19] =	ssyncset.done $0x0  }
0x11b: {  	s0 =	sadd.s32 s2, s0;
	s9 =	rddreg [dreg:$0xc];
	[sflag:s19] =	ssyncadd.s32 $0xFFFFCC00  }
0x11c: {  	[hbm4b:s0+s4] =	stream.linear.scatter [tilespmem:s9], [sflag:$0xF], $0x3400, $0x38;
	[tilespmem:$0x1E800] =	vst v63  }
0x11d: {  	s11 =	sadd.s32 s5, s10;
	_ =	swait.ge [sflag:s20], $0x3400  }
0x11e: {  	s0 =	sshll.u32 s11, $0x4;
	[sflag:s20] =	ssyncset.done $0x0  }
0x11f: {  	s21 =	simm.s32 $0x9;
	s0 =	sadd.s32 s2, s0;
	[sflag:s20] =	ssyncadd.s32 $0xFFFFCC00  }
0x120: {  	[hbm4b:s0+s4] =	stream.linear.scatter [tilespmem:s12], [sflag:$0x10], $0x3400, $0x38;
	[tilespmem:$0x1E800] =	vst v63  }
0x121: {  	_ =	swait.ge [sflag:s21], $0x3400  }
0x122: {  	[sflag:s21] =	ssyncset.done $0x0  }
0x123: {  	s22 =	simm.s32 $0xA;
	[sflag:s21] =	ssyncadd.s32 $0xFFFFCC00  }
0x124: {  	_ =	swait.ge [sflag:s22], $0x3400  }
0x125: {  	[sflag:s22] =	ssyncset.done $0x0  }
0x126: {  	s23 =	simm.s32 $0xB;
	[sflag:s22] =	ssyncadd.s32 $0xFFFFCC00  }
0x127: {  	_ =	swait.ge [sflag:s23], $0x3400  }
0x128: {  	[sflag:s23] =	ssyncset.done $0x0  }
0x129: {  	s24 =	simm.s32 $0xC;
	[sflag:s23] =	ssyncadd.s32 $0xFFFFCC00  }
0x12a: {  	_ =	swait.ge [sflag:s24], $0x3400  }
0x12b: {  	[sflag:s24] =	ssyncset.done $0x0  }
0x12c: {  	s25 =	simm.s32 $0xD;
	[sflag:s24] =	ssyncadd.s32 $0xFFFFCC00  }
0x12d: {  	_ =	swait.ge [sflag:s25], $0x3400  }
0x12e: {  	[sflag:s25] =	ssyncset.done $0x0  }
0x12f: {  	s26 =	simm.s32 $0xE;
	[sflag:s25] =	ssyncadd.s32 $0xFFFFCC00  }
0x130: {  	_ =	swait.ge [sflag:s26], $0x3400  }
0x131: {  	[sflag:s26] =	ssyncset.done $0x0  }
0x132: {  	s28 =	simm.s32 $0xF;
	[sflag:s26] =	ssyncadd.s32 $0xFFFFCC00  }
0x133: {  	_ =	swait.ge [sflag:s28], $0x3400  }
0x134: {  	[sflag:s28] =	ssyncset.done $0x0  }
0x135: {  	s29 =	simm.s32 $0x10;
	[sflag:s28] =	ssyncadd.s32 $0xFFFFCC00  }
0x136: {  	_ =	swait.ge [sflag:s29], $0x3400  }
0x137: {  	s30 =	rddreg [dreg:$0x11]  }
0x138: {  	s31 =	rddreg [dreg:$0xe];
	s6 =	sadd.s32 $0x1, s30  }
0x139: {  	p1 =	sne.s32 s6, s31  }
.Ltmp1:
0x13a: {  	_ = 	snop;
	(pc) =	sbr.rel @p1 .LBB2_1-.Ltmp1, $3  }
0x13b: {  	_ =	sdelay $0x1  }
0x13c: {  	[sflag:s29] =	ssyncset.done $0x0  }
0x13d: {  	s8 =	simm.s32 $0x1B400;
	[sflag:s29] =	ssyncadd.s32 $0xFFFFCC00  }
0x13e: {  	_ =	sfence.sel $0x180000  }
0x13f: {  	[bflag:$0x0] =	sbarrier.arrive $0xFFFF  }
0x140: {  	_ =	strace $0x90000047  }
0x141: {  	[bflag:$0x2] =	sbarrier.arrive $0xFFFF  }
0x142: {  	s0 =	rddreg [dreg:$0x4]  }
0x143: {  	s0 =	sadd.s32 @!p0 $0x100000, s0  }
0x144: {  	[sflag:s0] =	ssyncadd.tile.s32 @!p0 $0x1;
	_ =	shalt  }
.Lfunc_end2:
_tile_overlayer_lowered:
.L_overlay_start_2:
0x145: {  	(tag) =	ssettag $0x2  }
0x146: {  	s0 =	rddreg [dreg:$0x0];
	s2 =	stileid.u32  }
0x147: {  	s1 =	rddreg [dreg:$0x1];
	p0 =	sne.s32 s2, $0x0  }
0x148: {  	s3 =	rddreg [dreg:$0x2];
	[bflag:$0x3] =	sbarrier.arrive $0xFFFF;
	s2 =	simm.s32 @!p0 $0x1C11  }
0x149: {  	[timem:s3], [sflag:s2] =	dma.local @!p0 [hbm:s0], s1  }
0x14a: {  	s0 =	simm.s32 @!p0 $0x11  }
0x14b: {  	_ =	swait.ge @!p0 [sflag:s0], s1  }
0x14c: {  	s1 =	ssub.s32 @!p0 $0x0, s1;
	[sflag:s0] =	ssyncset.done @!p0 $0x0  }
0x14d: {  	[sflag:s0] =	ssyncadd.s32 @!p0 s1  }
0x14e: {  	[bflag:$0x3] =	sbarrier.arrive $0xFFFF  }
0x14f: {  	_ =	shalt  }

</sc_bundles>
